<compile_context>
chip_gen: v7x
topology: tpu7x:2x2x1
jax: 0.10.2.dev20260603
libtpu: 0.0.44.dev20260713+nightly
codegen_flags: <defaults>
</compile_context>

<pallas_src>
import numpy as np
import jax
import jax.numpy as jnp
from jax import lax
from jax.experimental import pallas as pl
from jax.experimental.pallas import tpu as pltpu
from jax.experimental.pallas import tpu_sc as plsc

_BATCH = 64
_H = 32
_W = 32
_SEQ = _H * _W
_NB = 4
_TOTAL = _BATCH * _NB
_SCALE_MIN = 0.15
_SCALE_MAX = 0.2
_ASPECT = 0.75

_NC = 1
_NS = 16
_NW = _NC * _NS
_BPW = _BATCH // _NW


def _sqrt_thresholds(kmax: int = 40) -> np.ndarray:
    ts = []
    for k in range(1, kmax + 1):
        z = np.float32(k * k)
        while True:
            z2 = np.nextafter(z, np.float32(0), dtype=np.float32)
            if np.sqrt(z2, dtype=np.float32) >= np.float32(k):
                z = z2
            else:
                break
        ts.append(z)
    return np.array(ts, dtype=np.float32)


_THRESH = _sqrt_thresholds()


def _body(us_hbm, ut_hbm, ul_hbm, tgt_hbm,
          u_s, u_t, u_l, tbuf, sem):
    w = lax.axis_index("s") * _NC + lax.axis_index("c")
    nblk = _BPW * _NB
    base = w * nblk

    h1 = pltpu.make_async_copy(us_hbm.at[pl.ds(base, nblk)],
                               u_s.at[pl.ds(0, nblk)], sem)
    h2 = pltpu.make_async_copy(ut_hbm.at[pl.ds(base, nblk)],
                               u_t.at[pl.ds(0, nblk)], sem)
    h3 = pltpu.make_async_copy(ul_hbm.at[pl.ds(base, nblk)],
                               u_l.at[pl.ds(0, nblk)], sem)
    h1.start()
    h2.start()
    h3.start()
    h1.wait()
    h2.wait()
    h3.wait()

    us = u_s[...]
    ut = u_t[...]
    ul = u_l[...]

    scales = jnp.float32(_SCALE_MIN) + us * jnp.float32(_SCALE_MAX - _SCALE_MIN)
    area = (scales * jnp.float32(_SEQ)).astype(jnp.int32)
    y = area.astype(jnp.float32) / jnp.float32(_ASPECT)
    hs_raw = jnp.zeros((16,), jnp.int32)
    for k in range(1, 34):
        hs_raw = hs_raw + jnp.where(y >= jnp.float32(_THRESH[k - 1]),
                                    jnp.int32(1), jnp.int32(0))
    hs = jnp.clip(hs_raw, 1, _H)
    ws = jnp.clip(area // hs, 1, _W)
    max_tops = _H - hs + 1
    max_lefts = _W - ws + 1
    tops = (ut * max_tops.astype(jnp.float32)).astype(jnp.int32)
    lefts = (ul * max_lefts.astype(jnp.float32)).astype(jnp.int32)

    ws_u = ws.astype(jnp.uint32)
    ones_w = (jnp.uint32(2) << (ws_u - 1)) - 1
    lef_u = jnp.minimum(lefts, 31).astype(jnp.uint32)
    cm = jnp.where(lefts > 31, jnp.uint32(0), ones_w << lef_u)

    tend = tops + hs
    cm_i = plsc.bitcast(cm, jnp.int32)

    iota = lax.iota(jnp.int32, 16)
    r_lo = iota
    r_hi = iota + 16
    shiftv = ((iota & 7) << 2).astype(jnp.uint32)
    lsb4 = jnp.full((16,), 0x01010101, jnp.uint32)
    nib = jnp.full((16,), 0xF, jnp.uint32)

    def batch_body(b, carry):
        def blk_body(j, bits):
            bl, bh = bits
            idx = jnp.full((16,), 0, jnp.int32) + (_NB * b + j)
            topb = tops.at[idx].get(mode="promise_in_bounds")
            tendb = tend.at[idx].get(mode="promise_in_bounds")
            cmb = plsc.bitcast(cm_i.at[idx].get(mode="promise_in_bounds"),
                               jnp.uint32)
            z = jnp.uint32(0)
            bl = bl | jnp.where((r_lo >= topb) & (r_lo < tendb), cmb, z)
            bh = bh | jnp.where((r_hi >= topb) & (r_hi < tendb), cmb, z)
            return bl, bh

        zz = jnp.zeros((16,), jnp.uint32)
        bits_lo, bits_hi = lax.fori_loop(0, _NB, blk_body, (zz, zz))
        blo_i = plsc.bitcast(bits_lo, jnp.int32)
        bhi_i = plsc.bitcast(bits_hi, jnp.int32)

        def exp_body(t, c):
            sel = jnp.full((16,), 0, jnp.int32) + t
            src = jnp.where(sel < 8, blo_i, bhi_i)
            rowsel = (iota >> 3) + (2 * t - 16 * (t // 8))
            g = plsc.bitcast(src.at[rowsel].get(mode="promise_in_bounds"),
                             jnp.uint32)
            x = (g >> shiftv) & nib
            yb = (x | (x << 7) | (x << 14) | (x << 21)) & lsb4
            off = (_SEQ // 4) * b + 16 * t
            tbuf[pl.ds(off, 16)] = plsc.bitcast(yb, jnp.int32)
            return c

        lax.fori_loop(0, 16, exp_body, jnp.int32(0))
        nwb = _SEQ // 4
        pltpu.make_async_copy(
            tbuf.at[pl.ds(nwb * b, nwb)],
            tgt_hbm.at[pl.ds((_BPW * w + b) * nwb, nwb)], sem).start()
        return carry

    lax.fori_loop(0, _BPW, batch_body, jnp.int32(0))

    for b in range(_BPW):
        nwb = _SEQ // 4
        pltpu.make_async_copy(
            tbuf.at[pl.ds(nwb * b, nwb)],
            tgt_hbm.at[pl.ds((_BPW * w + b) * nwb, nwb)], sem).wait()


@jax.jit
def kernel(u_scale, u_top, u_left):
    mesh = plsc.VectorSubcoreMesh(core_axis_name="c", subcore_axis_name="s",
                                  num_cores=_NC, num_subcores=_NS)
    out_type = jax.ShapeDtypeStruct((_BATCH * _SEQ // 4,), jnp.int32)
    scratch = [
        pltpu.VMEM((16,), jnp.float32),
        pltpu.VMEM((16,), jnp.float32),
        pltpu.VMEM((16,), jnp.float32),
        pltpu.VMEM((_BPW * _SEQ // 4,), jnp.int32),
        pltpu.SemaphoreType.DMA,
    ]
    run = pl.kernel(_body, out_type=out_type, mesh=mesh,
                    compiler_params=pltpu.CompilerParams(
                        needs_layout_passes=False),
                    scratch_types=scratch)
    tgtw = run(u_scale, u_top, u_left)

    by = lax.bitcast_convert_type(tgtw, jnp.uint8).reshape(_BATCH, _SEQ)
    return by == 0, by != 0

# --- scband reference (transcript-rebuilt; emitter-appended) ---
"""Pipeline reference for scband-block-mask-generator-13795434955368 (READ-ONLY COPY).

The authoritative reference and input builder live on the scoring server;
editing this copy changes nothing except your own understanding.
"""

import jax, jax.numpy as jnp
import numpy as np

BATCH = 64
HEIGHT = 32
WIDTH = 32
SEQ_LEN = HEIGHT * WIDTH
NUM_BLOCKS = 4
SCALE_MIN = 0.15
SCALE_MAX = 0.2
ASPECT = 0.75
TOTAL = BATCH * NUM_BLOCKS


def setup_inputs(seed: int = 0) -> dict:
    key = jax.random.key(seed)
    k1, k2, k3 = jax.random.split(key, 3)
    # Precompute the random draws that torch's forward makes internally
    u_scale = jax.random.uniform(k1, (TOTAL,), dtype=jnp.float32)
    u_top = jax.random.uniform(k2, (TOTAL,), dtype=jnp.float32)
    u_left = jax.random.uniform(k3, (TOTAL,), dtype=jnp.float32)
    return {"u_scale": u_scale, "u_top": u_top, "u_left": u_left}


def reference(u_scale, u_top, u_left):
    # scales ~ U(target_scale_min, target_scale_max) (hierarchical masking off)
    scales = SCALE_MIN + u_scale * (SCALE_MAX - SCALE_MIN)
    block_areas = (scales * HEIGHT * WIDTH).astype(jnp.int32)
    block_hs = jnp.clip(jnp.sqrt(block_areas.astype(jnp.float32) / ASPECT).astype(jnp.int32), 1, HEIGHT)
    # torch: (int_areas / block_hs.clamp(min=1)).int() -> truncating division (positive => floor)
    block_ws = jnp.clip((block_areas // jnp.clip(block_hs, 1, None)).astype(jnp.int32), 1, WIDTH)
    max_tops = jnp.clip(HEIGHT - block_hs + 1, 1, None)
    max_lefts = jnp.clip(WIDTH - block_ws + 1, 1, None)
    tops = (u_top * max_tops.astype(jnp.float32)).astype(jnp.int32)
    lefts = (u_left * max_lefts.astype(jnp.float32)).astype(jnp.int32)

    # Vectorized replacement of the per-block python loop:
    rows = jnp.arange(HEIGHT)
    cols = jnp.arange(WIDTH)
    row_in = (rows[None, :] >= tops[:, None]) & (rows[None, :] < (tops + block_hs)[:, None])  # [TOTAL, H]
    col_in = (cols[None, :] >= lefts[:, None]) & (cols[None, :] < (lefts + block_ws)[:, None])  # [TOTAL, W]
    block_mask = (row_in[:, :, None] & col_in[:, None, :]).reshape(TOTAL, HEIGHT * WIDTH)
    block_mask = block_mask[:, :SEQ_LEN]  # positions < seq_len guard
    # scatter-OR of the num_blocks blocks per batch element (segment-style reduction)
    target_mask = block_mask.reshape(BATCH, NUM_BLOCKS, SEQ_LEN).any(axis=1)
    context_mask = ~target_mask
    # target_positions (ragged per-sample nonzero lists) cannot be returned as a
    # fixed-shape jax array; they are recoverable from target_mask via nonzero.
    return (context_mask, target_mask)

if __name__ == "__main__":
    import jax
    _d = setup_inputs()
    print(jax.jit(kernel)(*tuple(_d.values())))

</pallas_src>

<mosaic_0001>
#map = affine_map<(d0, d1) -> (0)>
module attributes {stable_mosaic.version = 14 : i64} {
  func.func @_body(%arg0: i32, %arg1: i32, %arg2: memref<256xf32, #tpu.memory_space<hbm>>, %arg3: memref<256xf32, #tpu.memory_space<hbm>>, %arg4: memref<256xf32, #tpu.memory_space<hbm>>, %arg5: memref<16384xi32, #tpu.memory_space<hbm>>, %arg6: memref<16xf32, #tpu.memory_space<vmem>>, %arg7: memref<16xf32, #tpu.memory_space<vmem>>, %arg8: memref<16xf32, #tpu.memory_space<vmem>>, %arg9: memref<1024xi32, #tpu.memory_space<vmem>>, %arg10: memref<!tpu.dma_semaphore, #tpu.memory_space<semaphore_mem>>) attributes {dimension_semantics = [#tpu.dimension_semantics<core_parallel>, #tpu.dimension_semantics<subcore_parallel>], iteration_bounds = array<i64: 1, 16>, scalar_prefetch = 0 : i64, scratch_operands = 5 : i64, tpu.core_type = #tpu.core_type<sc_vector_subcore>, window_params = [{transform_indices = #map}, {transform_indices = #map}, {transform_indices = #map}, {transform_indices = #map}]} {
    %mul3A = arith.constant 1 : i32
    %mul3A_0 = arith.muli %arg1, %mul3A : i32
    %add3A = arith.addi %mul3A_0, %arg0 : i32
    %mul3A_1 = arith.constant 16 : i32
    %mul3A_2 = arith.muli %add3A, %mul3A_1 : i32
    %dma_start3A = arith.constant 0 : i32
    %dma_start3A_3 = tpu.memref_slice %arg6[%dma_start3A] : memref<16xf32, #tpu.memory_space<vmem>> -> memref<16xf32, #tpu.memory_space<vmem>>
    %dma_start3A_4 = tpu.memref_slice %arg2[%mul3A_2] : memref<256xf32, #tpu.memory_space<hbm>> -> memref<16xf32, #tpu.memory_space<hbm>>
    %dma_start3A_5 = arith.constant 0 : i32
    %dma_start3A_6 = tpu.memref_slice %arg6[%dma_start3A_5] : memref<16xf32, #tpu.memory_space<vmem>> -> memref<16xf32, #tpu.memory_space<vmem>>
    %dma_start3A_7 = tpu.memref_slice %arg2[%mul3A_2] : memref<256xf32, #tpu.memory_space<hbm>> -> memref<16xf32, #tpu.memory_space<hbm>>
    tpu.enqueue_dma source(%dma_start3A_7 : memref<16xf32, #tpu.memory_space<hbm>>) target(%dma_start3A_6 : memref<16xf32, #tpu.memory_space<vmem>>) target_semaphore(%arg10 : memref<!tpu.dma_semaphore, #tpu.memory_space<semaphore_mem>>)
    %dma_start3A_8 = arith.constant 0 : i32
    %dma_start3A_9 = tpu.memref_slice %arg7[%dma_start3A_8] : memref<16xf32, #tpu.memory_space<vmem>> -> memref<16xf32, #tpu.memory_space<vmem>>
    %dma_start3A_10 = tpu.memref_slice %arg3[%mul3A_2] : memref<256xf32, #tpu.memory_space<hbm>> -> memref<16xf32, #tpu.memory_space<hbm>>
    %dma_start3A_11 = arith.constant 0 : i32
    %dma_start3A_12 = tpu.memref_slice %arg7[%dma_start3A_11] : memref<16xf32, #tpu.memory_space<vmem>> -> memref<16xf32, #tpu.memory_space<vmem>>
    %dma_start3A_13 = tpu.memref_slice %arg3[%mul3A_2] : memref<256xf32, #tpu.memory_space<hbm>> -> memref<16xf32, #tpu.memory_space<hbm>>
    tpu.enqueue_dma source(%dma_start3A_13 : memref<16xf32, #tpu.memory_space<hbm>>) target(%dma_start3A_12 : memref<16xf32, #tpu.memory_space<vmem>>) target_semaphore(%arg10 : memref<!tpu.dma_semaphore, #tpu.memory_space<semaphore_mem>>)
    %dma_start3A_14 = arith.constant 0 : i32
    %dma_start3A_15 = tpu.memref_slice %arg8[%dma_start3A_14] : memref<16xf32, #tpu.memory_space<vmem>> -> memref<16xf32, #tpu.memory_space<vmem>>
    %dma_start3A_16 = tpu.memref_slice %arg4[%mul3A_2] : memref<256xf32, #tpu.memory_space<hbm>> -> memref<16xf32, #tpu.memory_space<hbm>>
    %dma_start3A_17 = arith.constant 0 : i32
    %dma_start3A_18 = tpu.memref_slice %arg8[%dma_start3A_17] : memref<16xf32, #tpu.memory_space<vmem>> -> memref<16xf32, #tpu.memory_space<vmem>>
    %dma_start3A_19 = tpu.memref_slice %arg4[%mul3A_2] : memref<256xf32, #tpu.memory_space<hbm>> -> memref<16xf32, #tpu.memory_space<hbm>>
    tpu.enqueue_dma source(%dma_start3A_19 : memref<16xf32, #tpu.memory_space<hbm>>) target(%dma_start3A_18 : memref<16xf32, #tpu.memory_space<vmem>>) target_semaphore(%arg10 : memref<!tpu.dma_semaphore, #tpu.memory_space<semaphore_mem>>)
    %dma_wait3A = arith.constant 0 : i32
    %dma_wait3A_20 = tpu.memref_slice %arg6[%dma_wait3A] : memref<16xf32, #tpu.memory_space<vmem>> -> memref<16xf32, #tpu.memory_space<vmem>>
    %dma_wait3A_21 = tpu.memref_slice %arg2[%mul3A_2] : memref<256xf32, #tpu.memory_space<hbm>> -> memref<16xf32, #tpu.memory_space<hbm>>
    %dma_wait3A_22 = arith.constant 0 : i32
    %dma_wait3A_23 = tpu.memref_slice %arg6[%dma_wait3A_22] : memref<16xf32, #tpu.memory_space<vmem>> -> memref<16xf32, #tpu.memory_space<vmem>>
    %dma_wait3A_24 = tpu.memref_slice %arg2[%mul3A_2] : memref<256xf32, #tpu.memory_space<hbm>> -> memref<16xf32, #tpu.memory_space<hbm>>
    tpu.wait_dma2 semaphore(%arg10 : memref<!tpu.dma_semaphore, #tpu.memory_space<semaphore_mem>>) src(%dma_wait3A_24 : memref<16xf32, #tpu.memory_space<hbm>>) dst(%dma_wait3A_23 : memref<16xf32, #tpu.memory_space<vmem>>)
    %dma_wait3A_25 = arith.constant 0 : i32
    %dma_wait3A_26 = tpu.memref_slice %arg7[%dma_wait3A_25] : memref<16xf32, #tpu.memory_space<vmem>> -> memref<16xf32, #tpu.memory_space<vmem>>
    %dma_wait3A_27 = tpu.memref_slice %arg3[%mul3A_2] : memref<256xf32, #tpu.memory_space<hbm>> -> memref<16xf32, #tpu.memory_space<hbm>>
    %dma_wait3A_28 = arith.constant 0 : i32
    %dma_wait3A_29 = tpu.memref_slice %arg7[%dma_wait3A_28] : memref<16xf32, #tpu.memory_space<vmem>> -> memref<16xf32, #tpu.memory_space<vmem>>
    %dma_wait3A_30 = tpu.memref_slice %arg3[%mul3A_2] : memref<256xf32, #tpu.memory_space<hbm>> -> memref<16xf32, #tpu.memory_space<hbm>>
    tpu.wait_dma2 semaphore(%arg10 : memref<!tpu.dma_semaphore, #tpu.memory_space<semaphore_mem>>) src(%dma_wait3A_30 : memref<16xf32, #tpu.memory_space<hbm>>) dst(%dma_wait3A_29 : memref<16xf32, #tpu.memory_space<vmem>>)
    %dma_wait3A_31 = arith.constant 0 : i32
    %dma_wait3A_32 = tpu.memref_slice %arg8[%dma_wait3A_31] : memref<16xf32, #tpu.memory_space<vmem>> -> memref<16xf32, #tpu.memory_space<vmem>>
    %dma_wait3A_33 = tpu.memref_slice %arg4[%mul3A_2] : memref<256xf32, #tpu.memory_space<hbm>> -> memref<16xf32, #tpu.memory_space<hbm>>
    %dma_wait3A_34 = arith.constant 0 : i32
    %dma_wait3A_35 = tpu.memref_slice %arg8[%dma_wait3A_34] : memref<16xf32, #tpu.memory_space<vmem>> -> memref<16xf32, #tpu.memory_space<vmem>>
    %dma_wait3A_36 = tpu.memref_slice %arg4[%mul3A_2] : memref<256xf32, #tpu.memory_space<hbm>> -> memref<16xf32, #tpu.memory_space<hbm>>
    tpu.wait_dma2 semaphore(%arg10 : memref<!tpu.dma_semaphore, #tpu.memory_space<semaphore_mem>>) src(%dma_wait3A_36 : memref<16xf32, #tpu.memory_space<hbm>>) dst(%dma_wait3A_35 : memref<16xf32, #tpu.memory_space<vmem>>)
    %get3A = arith.constant 0 : index
    %get3A_37 = tpu.vector_load %arg6[%get3A] {strides = array<i32>} : memref<16xf32, #tpu.memory_space<vmem>>, vector<16xf32>,
    %get3A_38 = arith.constant 0 : index
    %get3A_39 = tpu.vector_load %arg7[%get3A_38] {strides = array<i32>} : memref<16xf32, #tpu.memory_space<vmem>>, vector<16xf32>,
    %get3A_40 = arith.constant 0 : index
    %get3A_41 = tpu.vector_load %arg8[%get3A_40] {strides = array<i32>} : memref<16xf32, #tpu.memory_space<vmem>>, vector<16xf32>,
    %mul3A_42 = arith.constant 5.000000e-02 : f32
    %mul3A_43 = vector.broadcast %mul3A_42 : f32 to vector<16xf32>
    %mul3A_44 = arith.mulf %get3A_37, %mul3A_43 : vector<16xf32>
    %add3A_45 = arith.constant 1.500000e-01 : f32
    %add3A_46 = vector.broadcast %add3A_45 : f32 to vector<16xf32>
    %add3A_47 = arith.addf %add3A_46, %mul3A_44 : vector<16xf32>
    %mul3A_48 = arith.constant 1.024000e+03 : f32
    %mul3A_49 = vector.broadcast %mul3A_48 : f32 to vector<16xf32>
    %mul3A_50 = arith.mulf %add3A_47, %mul3A_49 : vector<16xf32>
    %convert_element_type3A = arith.fptosi %mul3A_50 : vector<16xf32> to vector<16xi32>
    %convert_element_type3A_51 = arith.sitofp %convert_element_type3A : vector<16xi32> to vector<16xf32>
    %div3A = arith.constant 7.500000e-01 : f32
    %div3A_52 = vector.broadcast %div3A : f32 to vector<16xf32>
    %div3A_53 = arith.divf %convert_element_type3A_51, %div3A_52 : vector<16xf32>
    %broadcast_in_dim3A = arith.constant 0 : i32
    %broadcast_in_dim3A_54 = vector.broadcast %broadcast_in_dim3A : i32 to vector<16xi32>
    %ge3A = arith.constant 1.000000e+00 : f32
    %ge3A_55 = vector.broadcast %ge3A : f32 to vector<16xf32>
    %ge3A_56 = arith.cmpf oge, %div3A_53, %ge3A_55 : vector<16xf32>
    %jit3A = arith.constant 1 : i32
    %jit3A_57 = arith.constant 0 : i32
    %broadcast_in_dim3A_58 = vector.broadcast %jit3A : i32 to vector<16xi32>
    %broadcast_in_dim3A_59 = vector.broadcast %jit3A_57 : i32 to vector<16xi32>
    %select_n3A = arith.select %ge3A_56, %broadcast_in_dim3A_58, %broadcast_in_dim3A_59 : vector<16xi1>, vector<16xi32>
    %add3A_60 = arith.addi %broadcast_in_dim3A_54, %select_n3A : vector<16xi32>
    %ge3A_61 = arith.constant 4.000000e+00 : f32
    %ge3A_62 = vector.broadcast %ge3A_61 : f32 to vector<16xf32>
    %ge3A_63 = arith.cmpf oge, %div3A_53, %ge3A_62 : vector<16xf32>
    %jit3A_64 = arith.constant 1 : i32
    %jit3A_65 = arith.constant 0 : i32
    %broadcast_in_dim3A_66 = vector.broadcast %jit3A_64 : i32 to vector<16xi32>
    %broadcast_in_dim3A_67 = vector.broadcast %jit3A_65 : i32 to vector<16xi32>
    %select_n3A_68 = arith.select %ge3A_63, %broadcast_in_dim3A_66, %broadcast_in_dim3A_67 : vector<16xi1>, vector<16xi32>
    %add3A_69 = arith.addi %add3A_60, %select_n3A_68 : vector<16xi32>
    %ge3A_70 = arith.constant 9.000000e+00 : f32
    %ge3A_71 = vector.broadcast %ge3A_70 : f32 to vector<16xf32>
    %ge3A_72 = arith.cmpf oge, %div3A_53, %ge3A_71 : vector<16xf32>
    %jit3A_73 = arith.constant 1 : i32
    %jit3A_74 = arith.constant 0 : i32
    %broadcast_in_dim3A_75 = vector.broadcast %jit3A_73 : i32 to vector<16xi32>
    %broadcast_in_dim3A_76 = vector.broadcast %jit3A_74 : i32 to vector<16xi32>
    %select_n3A_77 = arith.select %ge3A_72, %broadcast_in_dim3A_75, %broadcast_in_dim3A_76 : vector<16xi1>, vector<16xi32>
    %add3A_78 = arith.addi %add3A_69, %select_n3A_77 : vector<16xi32>
    %ge3A_79 = arith.constant 1.600000e+01 : f32
    %ge3A_80 = vector.broadcast %ge3A_79 : f32 to vector<16xf32>
    %ge3A_81 = arith.cmpf oge, %div3A_53, %ge3A_80 : vector<16xf32>
    %jit3A_82 = arith.constant 1 : i32
    %jit3A_83 = arith.constant 0 : i32
    %broadcast_in_dim3A_84 = vector.broadcast %jit3A_82 : i32 to vector<16xi32>
    %broadcast_in_dim3A_85 = vector.broadcast %jit3A_83 : i32 to vector<16xi32>
    %select_n3A_86 = arith.select %ge3A_81, %broadcast_in_dim3A_84, %broadcast_in_dim3A_85 : vector<16xi1>, vector<16xi32>
    %add3A_87 = arith.addi %add3A_78, %select_n3A_86 : vector<16xi32>
    %ge3A_88 = arith.constant 24.9999981 : f32
    %ge3A_89 = vector.broadcast %ge3A_88 : f32 to vector<16xf32>
    %ge3A_90 = arith.cmpf oge, %div3A_53, %ge3A_89 : vector<16xf32>
    %jit3A_91 = arith.constant 1 : i32
    %jit3A_92 = arith.constant 0 : i32
    %broadcast_in_dim3A_93 = vector.broadcast %jit3A_91 : i32 to vector<16xi32>
    %broadcast_in_dim3A_94 = vector.broadcast %jit3A_92 : i32 to vector<16xi32>
    %select_n3A_95 = arith.select %ge3A_90, %broadcast_in_dim3A_93, %broadcast_in_dim3A_94 : vector<16xi1>, vector<16xi32>
    %add3A_96 = arith.addi %add3A_87, %select_n3A_95 : vector<16xi32>
    %ge3A_97 = arith.constant 3.600000e+01 : f32
    %ge3A_98 = vector.broadcast %ge3A_97 : f32 to vector<16xf32>
    %ge3A_99 = arith.cmpf oge, %div3A_53, %ge3A_98 : vector<16xf32>
    %jit3A_100 = arith.constant 1 : i32
    %jit3A_101 = arith.constant 0 : i32
    %broadcast_in_dim3A_102 = vector.broadcast %jit3A_100 : i32 to vector<16xi32>
    %broadcast_in_dim3A_103 = vector.broadcast %jit3A_101 : i32 to vector<16xi32>
    %select_n3A_104 = arith.select %ge3A_99, %broadcast_in_dim3A_102, %broadcast_in_dim3A_103 : vector<16xi1>, vector<16xi32>
    %add3A_105 = arith.addi %add3A_96, %select_n3A_104 : vector<16xi32>
    %ge3A_106 = arith.constant 4.900000e+01 : f32
    %ge3A_107 = vector.broadcast %ge3A_106 : f32 to vector<16xf32>
    %ge3A_108 = arith.cmpf oge, %div3A_53, %ge3A_107 : vector<16xf32>
    %jit3A_109 = arith.constant 1 : i32
    %jit3A_110 = arith.constant 0 : i32
    %broadcast_in_dim3A_111 = vector.broadcast %jit3A_109 : i32 to vector<16xi32>
    %broadcast_in_dim3A_112 = vector.broadcast %jit3A_110 : i32 to vector<16xi32>
    %select_n3A_113 = arith.select %ge3A_108, %broadcast_in_dim3A_111, %broadcast_in_dim3A_112 : vector<16xi1>, vector<16xi32>
    %add3A_114 = arith.addi %add3A_105, %select_n3A_113 : vector<16xi32>
    %ge3A_115 = arith.constant 6.400000e+01 : f32
    %ge3A_116 = vector.broadcast %ge3A_115 : f32 to vector<16xf32>
    %ge3A_117 = arith.cmpf oge, %div3A_53, %ge3A_116 : vector<16xf32>
    %jit3A_118 = arith.constant 1 : i32
    %jit3A_119 = arith.constant 0 : i32
    %broadcast_in_dim3A_120 = vector.broadcast %jit3A_118 : i32 to vector<16xi32>
    %broadcast_in_dim3A_121 = vector.broadcast %jit3A_119 : i32 to vector<16xi32>
    %select_n3A_122 = arith.select %ge3A_117, %broadcast_in_dim3A_120, %broadcast_in_dim3A_121 : vector<16xi1>, vector<16xi32>
    %add3A_123 = arith.addi %add3A_114, %select_n3A_122 : vector<16xi32>
    %ge3A_124 = arith.constant 80.9999924 : f32
    %ge3A_125 = vector.broadcast %ge3A_124 : f32 to vector<16xf32>
    %ge3A_126 = arith.cmpf oge, %div3A_53, %ge3A_125 : vector<16xf32>
    %jit3A_127 = arith.constant 1 : i32
    %jit3A_128 = arith.constant 0 : i32
    %broadcast_in_dim3A_129 = vector.broadcast %jit3A_127 : i32 to vector<16xi32>
    %broadcast_in_dim3A_130 = vector.broadcast %jit3A_128 : i32 to vector<16xi32>
    %select_n3A_131 = arith.select %ge3A_126, %broadcast_in_dim3A_129, %broadcast_in_dim3A_130 : vector<16xi1>, vector<16xi32>
    %add3A_132 = arith.addi %add3A_123, %select_n3A_131 : vector<16xi32>
    %ge3A_133 = arith.constant 99.9999923 : f32
    %ge3A_134 = vector.broadcast %ge3A_133 : f32 to vector<16xf32>
    %ge3A_135 = arith.cmpf oge, %div3A_53, %ge3A_134 : vector<16xf32>
    %jit3A_136 = arith.constant 1 : i32
    %jit3A_137 = arith.constant 0 : i32
    %broadcast_in_dim3A_138 = vector.broadcast %jit3A_136 : i32 to vector<16xi32>
    %broadcast_in_dim3A_139 = vector.broadcast %jit3A_137 : i32 to vector<16xi32>
    %select_n3A_140 = arith.select %ge3A_135, %broadcast_in_dim3A_138, %broadcast_in_dim3A_139 : vector<16xi1>, vector<16xi32>
    %add3A_141 = arith.addi %add3A_132, %select_n3A_140 : vector<16xi32>
    %ge3A_142 = arith.constant 120.999992 : f32
    %ge3A_143 = vector.broadcast %ge3A_142 : f32 to vector<16xf32>
    %ge3A_144 = arith.cmpf oge, %div3A_53, %ge3A_143 : vector<16xf32>
    %jit3A_145 = arith.constant 1 : i32
    %jit3A_146 = arith.constant 0 : i32
    %broadcast_in_dim3A_147 = vector.broadcast %jit3A_145 : i32 to vector<16xi32>
    %broadcast_in_dim3A_148 = vector.broadcast %jit3A_146 : i32 to vector<16xi32>
    %select_n3A_149 = arith.select %ge3A_144, %broadcast_in_dim3A_147, %broadcast_in_dim3A_148 : vector<16xi1>, vector<16xi32>
    %add3A_150 = arith.addi %add3A_141, %select_n3A_149 : vector<16xi32>
    %ge3A_151 = arith.constant 1.440000e+02 : f32
    %ge3A_152 = vector.broadcast %ge3A_151 : f32 to vector<16xf32>
    %ge3A_153 = arith.cmpf oge, %div3A_53, %ge3A_152 : vector<16xf32>
    %jit3A_154 = arith.constant 1 : i32
    %jit3A_155 = arith.constant 0 : i32
    %broadcast_in_dim3A_156 = vector.broadcast %jit3A_154 : i32 to vector<16xi32>
    %broadcast_in_dim3A_157 = vector.broadcast %jit3A_155 : i32 to vector<16xi32>
    %select_n3A_158 = arith.select %ge3A_153, %broadcast_in_dim3A_156, %broadcast_in_dim3A_157 : vector<16xi1>, vector<16xi32>
    %add3A_159 = arith.addi %add3A_150, %select_n3A_158 : vector<16xi32>
    %ge3A_160 = arith.constant 1.690000e+02 : f32
    %ge3A_161 = vector.broadcast %ge3A_160 : f32 to vector<16xf32>
    %ge3A_162 = arith.cmpf oge, %div3A_53, %ge3A_161 : vector<16xf32>
    %jit3A_163 = arith.constant 1 : i32
    %jit3A_164 = arith.constant 0 : i32
    %broadcast_in_dim3A_165 = vector.broadcast %jit3A_163 : i32 to vector<16xi32>
    %broadcast_in_dim3A_166 = vector.broadcast %jit3A_164 : i32 to vector<16xi32>
    %select_n3A_167 = arith.select %ge3A_162, %broadcast_in_dim3A_165, %broadcast_in_dim3A_166 : vector<16xi1>, vector<16xi32>
    %add3A_168 = arith.addi %add3A_159, %select_n3A_167 : vector<16xi32>
    %ge3A_169 = arith.constant 1.960000e+02 : f32
    %ge3A_170 = vector.broadcast %ge3A_169 : f32 to vector<16xf32>
    %ge3A_171 = arith.cmpf oge, %div3A_53, %ge3A_170 : vector<16xf32>
    %jit3A_172 = arith.constant 1 : i32
    %jit3A_173 = arith.constant 0 : i32
    %broadcast_in_dim3A_174 = vector.broadcast %jit3A_172 : i32 to vector<16xi32>
    %broadcast_in_dim3A_175 = vector.broadcast %jit3A_173 : i32 to vector<16xi32>
    %select_n3A_176 = arith.select %ge3A_171, %broadcast_in_dim3A_174, %broadcast_in_dim3A_175 : vector<16xi1>, vector<16xi32>
    %add3A_177 = arith.addi %add3A_168, %select_n3A_176 : vector<16xi32>
    %ge3A_178 = arith.constant 2.250000e+02 : f32
    %ge3A_179 = vector.broadcast %ge3A_178 : f32 to vector<16xf32>
    %ge3A_180 = arith.cmpf oge, %div3A_53, %ge3A_179 : vector<16xf32>
    %jit3A_181 = arith.constant 1 : i32
    %jit3A_182 = arith.constant 0 : i32
    %broadcast_in_dim3A_183 = vector.broadcast %jit3A_181 : i32 to vector<16xi32>
    %broadcast_in_dim3A_184 = vector.broadcast %jit3A_182 : i32 to vector<16xi32>
    %select_n3A_185 = arith.select %ge3A_180, %broadcast_in_dim3A_183, %broadcast_in_dim3A_184 : vector<16xi1>, vector<16xi32>
    %add3A_186 = arith.addi %add3A_177, %select_n3A_185 : vector<16xi32>
    %ge3A_187 = arith.constant 2.560000e+02 : f32
    %ge3A_188 = vector.broadcast %ge3A_187 : f32 to vector<16xf32>
    %ge3A_189 = arith.cmpf oge, %div3A_53, %ge3A_188 : vector<16xf32>
    %jit3A_190 = arith.constant 1 : i32
    %jit3A_191 = arith.constant 0 : i32
    %broadcast_in_dim3A_192 = vector.broadcast %jit3A_190 : i32 to vector<16xi32>
    %broadcast_in_dim3A_193 = vector.broadcast %jit3A_191 : i32 to vector<16xi32>
    %select_n3A_194 = arith.select %ge3A_189, %broadcast_in_dim3A_192, %broadcast_in_dim3A_193 : vector<16xi1>, vector<16xi32>
    %add3A_195 = arith.addi %add3A_186, %select_n3A_194 : vector<16xi32>
    %ge3A_196 = arith.constant 288.999969 : f32
    %ge3A_197 = vector.broadcast %ge3A_196 : f32 to vector<16xf32>
    %ge3A_198 = arith.cmpf oge, %div3A_53, %ge3A_197 : vector<16xf32>
    %jit3A_199 = arith.constant 1 : i32
    %jit3A_200 = arith.constant 0 : i32
    %broadcast_in_dim3A_201 = vector.broadcast %jit3A_199 : i32 to vector<16xi32>
    %broadcast_in_dim3A_202 = vector.broadcast %jit3A_200 : i32 to vector<16xi32>
    %select_n3A_203 = arith.select %ge3A_198, %broadcast_in_dim3A_201, %broadcast_in_dim3A_202 : vector<16xi1>, vector<16xi32>
    %add3A_204 = arith.addi %add3A_195, %select_n3A_203 : vector<16xi32>
    %ge3A_205 = arith.constant 323.999969 : f32
    %ge3A_206 = vector.broadcast %ge3A_205 : f32 to vector<16xf32>
    %ge3A_207 = arith.cmpf oge, %div3A_53, %ge3A_206 : vector<16xf32>
    %jit3A_208 = arith.constant 1 : i32
    %jit3A_209 = arith.constant 0 : i32
    %broadcast_in_dim3A_210 = vector.broadcast %jit3A_208 : i32 to vector<16xi32>
    %broadcast_in_dim3A_211 = vector.broadcast %jit3A_209 : i32 to vector<16xi32>
    %select_n3A_212 = arith.select %ge3A_207, %broadcast_in_dim3A_210, %broadcast_in_dim3A_211 : vector<16xi1>, vector<16xi32>
    %add3A_213 = arith.addi %add3A_204, %select_n3A_212 : vector<16xi32>
    %ge3A_214 = arith.constant 360.999969 : f32
    %ge3A_215 = vector.broadcast %ge3A_214 : f32 to vector<16xf32>
    %ge3A_216 = arith.cmpf oge, %div3A_53, %ge3A_215 : vector<16xf32>
    %jit3A_217 = arith.constant 1 : i32
    %jit3A_218 = arith.constant 0 : i32
    %broadcast_in_dim3A_219 = vector.broadcast %jit3A_217 : i32 to vector<16xi32>
    %broadcast_in_dim3A_220 = vector.broadcast %jit3A_218 : i32 to vector<16xi32>
    %select_n3A_221 = arith.select %ge3A_216, %broadcast_in_dim3A_219, %broadcast_in_dim3A_220 : vector<16xi1>, vector<16xi32>
    %add3A_222 = arith.addi %add3A_213, %select_n3A_221 : vector<16xi32>
    %ge3A_223 = arith.constant 399.999969 : f32
    %ge3A_224 = vector.broadcast %ge3A_223 : f32 to vector<16xf32>
    %ge3A_225 = arith.cmpf oge, %div3A_53, %ge3A_224 : vector<16xf32>
    %jit3A_226 = arith.constant 1 : i32
    %jit3A_227 = arith.constant 0 : i32
    %broadcast_in_dim3A_228 = vector.broadcast %jit3A_226 : i32 to vector<16xi32>
    %broadcast_in_dim3A_229 = vector.broadcast %jit3A_227 : i32 to vector<16xi32>
    %select_n3A_230 = arith.select %ge3A_225, %broadcast_in_dim3A_228, %broadcast_in_dim3A_229 : vector<16xi1>, vector<16xi32>
    %add3A_231 = arith.addi %add3A_222, %select_n3A_230 : vector<16xi32>
    %ge3A_232 = arith.constant 440.999969 : f32
    %ge3A_233 = vector.broadcast %ge3A_232 : f32 to vector<16xf32>
    %ge3A_234 = arith.cmpf oge, %div3A_53, %ge3A_233 : vector<16xf32>
    %jit3A_235 = arith.constant 1 : i32
    %jit3A_236 = arith.constant 0 : i32
    %broadcast_in_dim3A_237 = vector.broadcast %jit3A_235 : i32 to vector<16xi32>
    %broadcast_in_dim3A_238 = vector.broadcast %jit3A_236 : i32 to vector<16xi32>
    %select_n3A_239 = arith.select %ge3A_234, %broadcast_in_dim3A_237, %broadcast_in_dim3A_238 : vector<16xi1>, vector<16xi32>
    %add3A_240 = arith.addi %add3A_231, %select_n3A_239 : vector<16xi32>
    %ge3A_241 = arith.constant 483.999969 : f32
    %ge3A_242 = vector.broadcast %ge3A_241 : f32 to vector<16xf32>
    %ge3A_243 = arith.cmpf oge, %div3A_53, %ge3A_242 : vector<16xf32>
    %jit3A_244 = arith.constant 1 : i32
    %jit3A_245 = arith.constant 0 : i32
    %broadcast_in_dim3A_246 = vector.broadcast %jit3A_244 : i32 to vector<16xi32>
    %broadcast_in_dim3A_247 = vector.broadcast %jit3A_245 : i32 to vector<16xi32>
    %select_n3A_248 = arith.select %ge3A_243, %broadcast_in_dim3A_246, %broadcast_in_dim3A_247 : vector<16xi1>, vector<16xi32>
    %add3A_249 = arith.addi %add3A_240, %select_n3A_248 : vector<16xi32>
    %ge3A_250 = arith.constant 5.290000e+02 : f32
    %ge3A_251 = vector.broadcast %ge3A_250 : f32 to vector<16xf32>
    %ge3A_252 = arith.cmpf oge, %div3A_53, %ge3A_251 : vector<16xf32>
    %jit3A_253 = arith.constant 1 : i32
    %jit3A_254 = arith.constant 0 : i32
    %broadcast_in_dim3A_255 = vector.broadcast %jit3A_253 : i32 to vector<16xi32>
    %broadcast_in_dim3A_256 = vector.broadcast %jit3A_254 : i32 to vector<16xi32>
    %select_n3A_257 = arith.select %ge3A_252, %broadcast_in_dim3A_255, %broadcast_in_dim3A_256 : vector<16xi1>, vector<16xi32>
    %add3A_258 = arith.addi %add3A_249, %select_n3A_257 : vector<16xi32>
    %ge3A_259 = arith.constant 5.760000e+02 : f32
    %ge3A_260 = vector.broadcast %ge3A_259 : f32 to vector<16xf32>
    %ge3A_261 = arith.cmpf oge, %div3A_53, %ge3A_260 : vector<16xf32>
    %jit3A_262 = arith.constant 1 : i32
    %jit3A_263 = arith.constant 0 : i32
    %broadcast_in_dim3A_264 = vector.broadcast %jit3A_262 : i32 to vector<16xi32>
    %broadcast_in_dim3A_265 = vector.broadcast %jit3A_263 : i32 to vector<16xi32>
    %select_n3A_266 = arith.select %ge3A_261, %broadcast_in_dim3A_264, %broadcast_in_dim3A_265 : vector<16xi1>, vector<16xi32>
    %add3A_267 = arith.addi %add3A_258, %select_n3A_266 : vector<16xi32>
    %ge3A_268 = arith.constant 6.250000e+02 : f32
    %ge3A_269 = vector.broadcast %ge3A_268 : f32 to vector<16xf32>
    %ge3A_270 = arith.cmpf oge, %div3A_53, %ge3A_269 : vector<16xf32>
    %jit3A_271 = arith.constant 1 : i32
    %jit3A_272 = arith.constant 0 : i32
    %broadcast_in_dim3A_273 = vector.broadcast %jit3A_271 : i32 to vector<16xi32>
    %broadcast_in_dim3A_274 = vector.broadcast %jit3A_272 : i32 to vector<16xi32>
    %select_n3A_275 = arith.select %ge3A_270, %broadcast_in_dim3A_273, %broadcast_in_dim3A_274 : vector<16xi1>, vector<16xi32>
    %add3A_276 = arith.addi %add3A_267, %select_n3A_275 : vector<16xi32>
    %ge3A_277 = arith.constant 6.760000e+02 : f32
    %ge3A_278 = vector.broadcast %ge3A_277 : f32 to vector<16xf32>
    %ge3A_279 = arith.cmpf oge, %div3A_53, %ge3A_278 : vector<16xf32>
    %jit3A_280 = arith.constant 1 : i32
    %jit3A_281 = arith.constant 0 : i32
    %broadcast_in_dim3A_282 = vector.broadcast %jit3A_280 : i32 to vector<16xi32>
    %broadcast_in_dim3A_283 = vector.broadcast %jit3A_281 : i32 to vector<16xi32>
    %select_n3A_284 = arith.select %ge3A_279, %broadcast_in_dim3A_282, %broadcast_in_dim3A_283 : vector<16xi1>, vector<16xi32>
    %add3A_285 = arith.addi %add3A_276, %select_n3A_284 : vector<16xi32>
    %ge3A_286 = arith.constant 7.290000e+02 : f32
    %ge3A_287 = vector.broadcast %ge3A_286 : f32 to vector<16xf32>
    %ge3A_288 = arith.cmpf oge, %div3A_53, %ge3A_287 : vector<16xf32>
    %jit3A_289 = arith.constant 1 : i32
    %jit3A_290 = arith.constant 0 : i32
    %broadcast_in_dim3A_291 = vector.broadcast %jit3A_289 : i32 to vector<16xi32>
    %broadcast_in_dim3A_292 = vector.broadcast %jit3A_290 : i32 to vector<16xi32>
    %select_n3A_293 = arith.select %ge3A_288, %broadcast_in_dim3A_291, %broadcast_in_dim3A_292 : vector<16xi1>, vector<16xi32>
    %add3A_294 = arith.addi %add3A_285, %select_n3A_293 : vector<16xi32>
    %ge3A_295 = arith.constant 7.840000e+02 : f32
    %ge3A_296 = vector.broadcast %ge3A_295 : f32 to vector<16xf32>
    %ge3A_297 = arith.cmpf oge, %div3A_53, %ge3A_296 : vector<16xf32>
    %jit3A_298 = arith.constant 1 : i32
    %jit3A_299 = arith.constant 0 : i32
    %broadcast_in_dim3A_300 = vector.broadcast %jit3A_298 : i32 to vector<16xi32>
    %broadcast_in_dim3A_301 = vector.broadcast %jit3A_299 : i32 to vector<16xi32>
    %select_n3A_302 = arith.select %ge3A_297, %broadcast_in_dim3A_300, %broadcast_in_dim3A_301 : vector<16xi1>, vector<16xi32>
    %add3A_303 = arith.addi %add3A_294, %select_n3A_302 : vector<16xi32>
    %ge3A_304 = arith.constant 8.410000e+02 : f32
    %ge3A_305 = vector.broadcast %ge3A_304 : f32 to vector<16xf32>
    %ge3A_306 = arith.cmpf oge, %div3A_53, %ge3A_305 : vector<16xf32>
    %jit3A_307 = arith.constant 1 : i32
    %jit3A_308 = arith.constant 0 : i32
    %broadcast_in_dim3A_309 = vector.broadcast %jit3A_307 : i32 to vector<16xi32>
    %broadcast_in_dim3A_310 = vector.broadcast %jit3A_308 : i32 to vector<16xi32>
    %select_n3A_311 = arith.select %ge3A_306, %broadcast_in_dim3A_309, %broadcast_in_dim3A_310 : vector<16xi1>, vector<16xi32>
    %add3A_312 = arith.addi %add3A_303, %select_n3A_311 : vector<16xi32>
    %ge3A_313 = arith.constant 9.000000e+02 : f32
    %ge3A_314 = vector.broadcast %ge3A_313 : f32 to vector<16xf32>
    %ge3A_315 = arith.cmpf oge, %div3A_53, %ge3A_314 : vector<16xf32>
    %jit3A_316 = arith.constant 1 : i32
    %jit3A_317 = arith.constant 0 : i32
    %broadcast_in_dim3A_318 = vector.broadcast %jit3A_316 : i32 to vector<16xi32>
    %broadcast_in_dim3A_319 = vector.broadcast %jit3A_317 : i32 to vector<16xi32>
    %select_n3A_320 = arith.select %ge3A_315, %broadcast_in_dim3A_318, %broadcast_in_dim3A_319 : vector<16xi1>, vector<16xi32>
    %add3A_321 = arith.addi %add3A_312, %select_n3A_320 : vector<16xi32>
    %ge3A_322 = arith.constant 9.610000e+02 : f32
    %ge3A_323 = vector.broadcast %ge3A_322 : f32 to vector<16xf32>
    %ge3A_324 = arith.cmpf oge, %div3A_53, %ge3A_323 : vector<16xf32>
    %jit3A_325 = arith.constant 1 : i32
    %jit3A_326 = arith.constant 0 : i32
    %broadcast_in_dim3A_327 = vector.broadcast %jit3A_325 : i32 to vector<16xi32>
    %broadcast_in_dim3A_328 = vector.broadcast %jit3A_326 : i32 to vector<16xi32>
    %select_n3A_329 = arith.select %ge3A_324, %broadcast_in_dim3A_327, %broadcast_in_dim3A_328 : vector<16xi1>, vector<16xi32>
    %add3A_330 = arith.addi %add3A_321, %select_n3A_329 : vector<16xi32>
    %ge3A_331 = arith.constant 1.024000e+03 : f32
    %ge3A_332 = vector.broadcast %ge3A_331 : f32 to vector<16xf32>
    %ge3A_333 = arith.cmpf oge, %div3A_53, %ge3A_332 : vector<16xf32>
    %jit3A_334 = arith.constant 1 : i32
    %jit3A_335 = arith.constant 0 : i32
    %broadcast_in_dim3A_336 = vector.broadcast %jit3A_334 : i32 to vector<16xi32>
    %broadcast_in_dim3A_337 = vector.broadcast %jit3A_335 : i32 to vector<16xi32>
    %select_n3A_338 = arith.select %ge3A_333, %broadcast_in_dim3A_336, %broadcast_in_dim3A_337 : vector<16xi1>, vector<16xi32>
    %add3A_339 = arith.addi %add3A_330, %select_n3A_338 : vector<16xi32>
    %ge3A_340 = arith.constant 1088.99988 : f32
    %ge3A_341 = vector.broadcast %ge3A_340 : f32 to vector<16xf32>
    %ge3A_342 = arith.cmpf oge, %div3A_53, %ge3A_341 : vector<16xf32>
    %jit3A_343 = arith.constant 1 : i32
    %jit3A_344 = arith.constant 0 : i32
    %broadcast_in_dim3A_345 = vector.broadcast %jit3A_343 : i32 to vector<16xi32>
    %broadcast_in_dim3A_346 = vector.broadcast %jit3A_344 : i32 to vector<16xi32>
    %select_n3A_347 = arith.select %ge3A_342, %broadcast_in_dim3A_345, %broadcast_in_dim3A_346 : vector<16xi1>, vector<16xi32>
    %add3A_348 = arith.addi %add3A_339, %select_n3A_347 : vector<16xi32>
    %jit3A_349 = arith.constant 1 : i32
    %jit3A_350 = arith.constant 32 : i32
    %max3A = vector.broadcast %jit3A_349 : i32 to vector<16xi32>
    %max3A_351 = arith.maxsi %max3A, %add3A_348 : vector<16xi32>
    %min3A = vector.broadcast %jit3A_350 : i32 to vector<16xi32>
    %min3A_352 = arith.minsi %min3A, %max3A_351 : vector<16xi32>
    %div3A_353 = arith.divsi %convert_element_type3A, %min3A_352 : vector<16xi32>
    %sign3A = arith.constant 0 : i32
    %sign3A_354 = vector.broadcast %sign3A : i32 to vector<16xi32>
    %sign3A_355 = arith.cmpi sgt, %convert_element_type3A, %sign3A_354 : vector<16xi32>
    %sign3A_356 = arith.extui %sign3A_355 : vector<16xi1> to vector<16xi32>
    %sign3A_357 = arith.constant 0 : i32
    %sign3A_358 = vector.broadcast %sign3A_357 : i32 to vector<16xi32>
    %sign3A_359 = arith.cmpi slt, %convert_element_type3A, %sign3A_358 : vector<16xi32>
    %sign3A_360 = arith.extui %sign3A_359 : vector<16xi1> to vector<16xi32>
    %sign3A_361 = arith.subi %sign3A_356, %sign3A_360 : vector<16xi32>
    %sign3A_362 = arith.constant 0 : i32
    %sign3A_363 = vector.broadcast %sign3A_362 : i32 to vector<16xi32>
    %sign3A_364 = arith.cmpi sgt, %min3A_352, %sign3A_363 : vector<16xi32>
    %sign3A_365 = arith.extui %sign3A_364 : vector<16xi1> to vector<16xi32>
    %sign3A_366 = arith.constant 0 : i32
    %sign3A_367 = vector.broadcast %sign3A_366 : i32 to vector<16xi32>
    %sign3A_368 = arith.cmpi slt, %min3A_352, %sign3A_367 : vector<16xi32>
    %sign3A_369 = arith.extui %sign3A_368 : vector<16xi1> to vector<16xi32>
    %sign3A_370 = arith.subi %sign3A_365, %sign3A_369 : vector<16xi32>
    %ne3A = arith.cmpi ne, %sign3A_361, %sign3A_370 : vector<16xi32>
    %rem3A = arith.remsi %convert_element_type3A, %min3A_352 : vector<16xi32>
    %ne3A_371 = arith.constant 0 : i32
    %ne3A_372 = vector.broadcast %ne3A_371 : i32 to vector<16xi32>
    %ne3A_373 = arith.cmpi ne, %rem3A, %ne3A_372 : vector<16xi32>
    %and3A = arith.andi %ne3A, %ne3A_373 : vector<16xi1>
    %sub3A = arith.constant 1 : i32
    %sub3A_374 = vector.broadcast %sub3A : i32 to vector<16xi32>
    %sub3A_375 = arith.subi %div3A_353, %sub3A_374 : vector<16xi32>
    %select_n3A_376 = arith.select %and3A, %sub3A_375, %div3A_353 : vector<16xi1>, vector<16xi32>
    %jit3A_377 = arith.constant 1 : i32
    %jit3A_378 = arith.constant 32 : i32
    %max3A_379 = vector.broadcast %jit3A_377 : i32 to vector<16xi32>
    %max3A_380 = arith.maxsi %max3A_379, %select_n3A_376 : vector<16xi32>
    %min3A_381 = vector.broadcast %jit3A_378 : i32 to vector<16xi32>
    %min3A_382 = arith.minsi %min3A_381, %max3A_380 : vector<16xi32>
    %sub3A_383 = arith.constant 32 : i32
    %sub3A_384 = vector.broadcast %sub3A_383 : i32 to vector<16xi32>
    %sub3A_385 = arith.subi %sub3A_384, %min3A_352 : vector<16xi32>
    %add3A_386 = arith.constant 1 : i32
    %add3A_387 = vector.broadcast %add3A_386 : i32 to vector<16xi32>
    %add3A_388 = arith.addi %sub3A_385, %add3A_387 : vector<16xi32>
    %sub3A_389 = arith.constant 32 : i32
    %sub3A_390 = vector.broadcast %sub3A_389 : i32 to vector<16xi32>
    %sub3A_391 = arith.subi %sub3A_390, %min3A_382 : vector<16xi32>
    %add3A_392 = arith.constant 1 : i32
    %add3A_393 = vector.broadcast %add3A_392 : i32 to vector<16xi32>
    %add3A_394 = arith.addi %sub3A_391, %add3A_393 : vector<16xi32>
    %convert_element_type3A_395 = arith.sitofp %add3A_388 : vector<16xi32> to vector<16xf32>
    %mul3A_396 = arith.mulf %get3A_39, %convert_element_type3A_395 : vector<16xf32>
    %convert_element_type3A_397 = arith.fptosi %mul3A_396 : vector<16xf32> to vector<16xi32>
    %convert_element_type3A_398 = arith.sitofp %add3A_394 : vector<16xi32> to vector<16xf32>
    %mul3A_399 = arith.mulf %get3A_41, %convert_element_type3A_398 : vector<16xf32>
    %convert_element_type3A_400 = arith.fptosi %mul3A_399 : vector<16xf32> to vector<16xi32>
    %sub3A_401 = arith.constant 1 : i32
    %sub3A_402 = vector.broadcast %sub3A_401 : i32 to vector<16xi32>
    %sub3A_403 = arith.subi %min3A_382, %sub3A_402 : vector<16xi32>
    %shift_left3A = arith.constant 2 : i32
    %shift_left3A_404 = vector.broadcast %shift_left3A : i32 to vector<16xi32>
    %shift_left3A_405 = arith.shli %shift_left3A_404, %sub3A_403 : vector<16xi32>
    %sub3A_406 = arith.constant 1 : i32
    %sub3A_407 = vector.broadcast %sub3A_406 : i32 to vector<16xi32>
    %sub3A_408 = arith.subi %shift_left3A_405, %sub3A_407 : vector<16xi32>
    %min3A_409 = arith.constant 31 : i32
    %min3A_410 = vector.broadcast %min3A_409 : i32 to vector<16xi32>
    %min3A_411 = arith.minsi %convert_element_type3A_400, %min3A_410 : vector<16xi32>
    %gt3A = arith.constant 31 : i32
    %gt3A_412 = vector.broadcast %gt3A : i32 to vector<16xi32>
    %gt3A_413 = arith.cmpi sgt, %convert_element_type3A_400, %gt3A_412 : vector<16xi32>
    %shift_left3A_414 = arith.shli %sub3A_408, %min3A_411 : vector<16xi32>
    %jit3A_415 = arith.constant 0 : i32
    %broadcast_in_dim3A_416 = vector.broadcast %jit3A_415 : i32 to vector<16xi32>
    %select_n3A_417 = arith.select %gt3A_413, %broadcast_in_dim3A_416, %shift_left3A_414 : vector<16xi1>, vector<16xi32>
    %add3A_418 = arith.addi %convert_element_type3A_397, %min3A_352 : vector<16xi32>
    %bitcast3A = vector.bitcast %select_n3A_417 : vector<16xi32> to vector<16xi32>
    %iota3A = tpu.iota {dimensions = array<i32: 0>} : vector<16xi32>
    %add3A_419 = arith.constant 16 : i32
    %add3A_420 = vector.broadcast %add3A_419 : i32 to vector<16xi32>
    %add3A_421 = arith.addi %iota3A, %add3A_420 : vector<16xi32>
    %and3A_422 = arith.constant 7 : i32
    %and3A_423 = vector.broadcast %and3A_422 : i32 to vector<16xi32>
    %and3A_424 = arith.andi %iota3A, %and3A_423 : vector<16xi32>
    %shift_left3A_425 = arith.constant 2 : i32
    %shift_left3A_426 = vector.broadcast %shift_left3A_425 : i32 to vector<16xi32>
    %shift_left3A_427 = arith.shli %and3A_424, %shift_left3A_426 : vector<16xi32>
    %broadcast_in_dim3A_428 = arith.constant 16843009 : i32
    %broadcast_in_dim3A_429 = vector.broadcast %broadcast_in_dim3A_428 : i32 to vector<16xi32>
    %broadcast_in_dim3A_430 = arith.constant 15 : i32
    %broadcast_in_dim3A_431 = vector.broadcast %broadcast_in_dim3A_430 : i32 to vector<16xi32>
    %scan3A = arith.constant 0 : i32
    %scan3A_432 = arith.constant 0 : i32
    %scan3A_433 = arith.constant 4 : i32
    %scan3A_434 = arith.addi %scan3A_432, %scan3A_433 : i32
    %scan3A_435 = arith.constant 1 : i32
    scf.for %scan3A_485 = %scan3A_432 to %scan3A_434 step %scan3A_435  : i32 {
      %broadcast_in_dim3A_486 = arith.constant 0 : i32
      %broadcast_in_dim3A_487 = vector.broadcast %broadcast_in_dim3A_486 : i32 to vector<16xi32>
      %scan3A_488 = arith.constant 0 : i32
      %scan3A_489 = arith.constant 4 : i32
      %scan3A_490 = arith.addi %scan3A_488, %scan3A_489 : i32
      %scan3A_491 = arith.constant 1 : i32
      %scan3A_492:2 = scf.for %scan3A_513 = %scan3A_488 to %scan3A_490 step %scan3A_491 iter_args(%scan3A_514 = %broadcast_in_dim3A_487, %scan3A_515 = %broadcast_in_dim3A_487) -> (vector<16xi32>, vector<16xi32>)  : i32 {
        %broadcast_in_dim3A_516 = arith.constant 0 : i32
        %broadcast_in_dim3A_517 = vector.broadcast %broadcast_in_dim3A_516 : i32 to vector<16xi32>
        %mul3A_518 = arith.constant 4 : i32
        %mul3A_519 = arith.muli %mul3A_518, %scan3A_485 : i32
        %add3A_520 = arith.addi %mul3A_519, %scan3A_513 : i32
        %add3A_521 = vector.broadcast %add3A_520 : i32 to vector<16xi32>
        %add3A_522 = arith.addi %broadcast_in_dim3A_517, %add3A_521 : vector<16xi32>
        %lt3A = arith.constant 0 : i32
        %lt3A_523 = vector.broadcast %lt3A : i32 to vector<16xi32>
        %lt3A_524 = arith.cmpi slt, %add3A_522, %lt3A_523 : vector<16xi32>
        %add3A_525 = arith.constant 16 : i32
        %add3A_526 = vector.broadcast %add3A_525 : i32 to vector<16xi32>
        %add3A_527 = arith.addi %add3A_522, %add3A_526 : vector<16xi32>
        %select_n3A_528 = arith.select %lt3A_524, %add3A_527, %add3A_522 : vector<16xi1>, vector<16xi32>
        %broadcast_in_dim3A_529 = vector.shape_cast %select_n3A_528 : vector<16xi32> to vector<16x1xi32>
        %gather3A = vector.shape_cast %broadcast_in_dim3A_529 : vector<16x1xi32> to vector<16xi32>
        %gather3A_530 = tpu.dynamic_gather %convert_element_type3A_397[%gather3A] in [0] : vector<16xi32>, vector<16xi32> -> vector<16xi32>
        %lt3A_531 = arith.constant 0 : i32
        %lt3A_532 = vector.broadcast %lt3A_531 : i32 to vector<16xi32>
        %lt3A_533 = arith.cmpi slt, %add3A_522, %lt3A_532 : vector<16xi32>
        %add3A_534 = arith.constant 16 : i32
        %add3A_535 = vector.broadcast %add3A_534 : i32 to vector<16xi32>
        %add3A_536 = arith.addi %add3A_522, %add3A_535 : vector<16xi32>
        %select_n3A_537 = arith.select %lt3A_533, %add3A_536, %add3A_522 : vector<16xi1>, vector<16xi32>
        %broadcast_in_dim3A_538 = vector.shape_cast %select_n3A_537 : vector<16xi32> to vector<16x1xi32>
        %gather3A_539 = vector.shape_cast %broadcast_in_dim3A_538 : vector<16x1xi32> to vector<16xi32>
        %gather3A_540 = tpu.dynamic_gather %add3A_418[%gather3A_539] in [0] : vector<16xi32>, vector<16xi32> -> vector<16xi32>
        %lt3A_541 = arith.constant 0 : i32
        %lt3A_542 = vector.broadcast %lt3A_541 : i32 to vector<16xi32>
        %lt3A_543 = arith.cmpi slt, %add3A_522, %lt3A_542 : vector<16xi32>
        %add3A_544 = arith.constant 16 : i32
        %add3A_545 = vector.broadcast %add3A_544 : i32 to vector<16xi32>
        %add3A_546 = arith.addi %add3A_522, %add3A_545 : vector<16xi32>
        %select_n3A_547 = arith.select %lt3A_543, %add3A_546, %add3A_522 : vector<16xi1>, vector<16xi32>
        %broadcast_in_dim3A_548 = vector.shape_cast %select_n3A_547 : vector<16xi32> to vector<16x1xi32>
        %gather3A_549 = vector.shape_cast %broadcast_in_dim3A_548 : vector<16x1xi32> to vector<16xi32>
        %gather3A_550 = tpu.dynamic_gather %bitcast3A[%gather3A_549] in [0] : vector<16xi32>, vector<16xi32> -> vector<16xi32>
        %bitcast3A_551 = vector.bitcast %gather3A_550 : vector<16xi32> to vector<16xi32>
        %ge3A_552 = arith.cmpi sge, %iota3A, %gather3A_530 : vector<16xi32>
        %lt3A_553 = arith.cmpi slt, %iota3A, %gather3A_540 : vector<16xi32>
        %and3A_554 = arith.andi %ge3A_552, %lt3A_553 : vector<16xi1>
        %jit3A_555 = arith.constant 0 : i32
        %broadcast_in_dim3A_556 = vector.broadcast %jit3A_555 : i32 to vector<16xi32>
        %select_n3A_557 = arith.select %and3A_554, %bitcast3A_551, %broadcast_in_dim3A_556 : vector<16xi1>, vector<16xi32>
        %or3A = arith.ori %scan3A_514, %select_n3A_557 : vector<16xi32>
        %ge3A_558 = arith.cmpi sge, %add3A_421, %gather3A_530 : vector<16xi32>
        %lt3A_559 = arith.cmpi slt, %add3A_421, %gather3A_540 : vector<16xi32>
        %and3A_560 = arith.andi %ge3A_558, %lt3A_559 : vector<16xi1>
        %jit3A_561 = arith.constant 0 : i32
        %broadcast_in_dim3A_562 = vector.broadcast %jit3A_561 : i32 to vector<16xi32>
        %select_n3A_563 = arith.select %and3A_560, %bitcast3A_551, %broadcast_in_dim3A_562 : vector<16xi1>, vector<16xi32>
        %or3A_564 = arith.ori %scan3A_515, %select_n3A_563 : vector<16xi32>
        scf.yield %or3A, %or3A_564 : vector<16xi32>, vector<16xi32>
      }
      %scan3A_493 = arith.constant 4 : i32
      %bitcast3A_494 = vector.bitcast %scan3A_492#0 : vector<16xi32> to vector<16xi32>
      %bitcast3A_495 = vector.bitcast %scan3A_492#1 : vector<16xi32> to vector<16xi32>
      %scan3A_496 = arith.constant 0 : i32
      %scan3A_497 = arith.constant 0 : i32
      %scan3A_498 = arith.constant 16 : i32
      %scan3A_499 = arith.addi %scan3A_497, %scan3A_498 : i32
      %scan3A_500 = arith.constant 1 : i32
      scf.for %scan3A_513 = %scan3A_497 to %scan3A_499 step %scan3A_500  : i32 {
        %broadcast_in_dim3A_514 = arith.constant 0 : i32
        %broadcast_in_dim3A_515 = vector.broadcast %broadcast_in_dim3A_514 : i32 to vector<16xi32>
        %add3A_516 = vector.broadcast %scan3A_513 : i32 to vector<16xi32>
        %add3A_517 = arith.addi %broadcast_in_dim3A_515, %add3A_516 : vector<16xi32>
        %lt3A = arith.constant 8 : i32
        %lt3A_518 = vector.broadcast %lt3A : i32 to vector<16xi32>
        %lt3A_519 = arith.cmpi slt, %add3A_517, %lt3A_518 : vector<16xi32>
        %select_n3A_520 = arith.select %lt3A_519, %bitcast3A_494, %bitcast3A_495 : vector<16xi1>, vector<16xi32>
        %shift_right_arithmetic3A = arith.constant 3 : i32
        %shift_right_arithmetic3A_521 = vector.broadcast %shift_right_arithmetic3A : i32 to vector<16xi32>
        %shift_right_arithmetic3A_522 = arith.shrsi %iota3A, %shift_right_arithmetic3A_521 : vector<16xi32>
        %mul3A_523 = arith.constant 2 : i32
        %mul3A_524 = arith.muli %mul3A_523, %scan3A_513 : i32
        %jit3A_525 = arith.constant 8 : i32
        %div3A_526 = arith.divsi %scan3A_513, %jit3A_525 : i32
        %sign3A_527 = arith.constant 0 : i32
        %sign3A_528 = arith.cmpi sgt, %scan3A_513, %sign3A_527 : i32
        %sign3A_529 = arith.extui %sign3A_528 : i1 to i32
        %sign3A_530 = arith.constant 0 : i32
        %sign3A_531 = arith.cmpi slt, %scan3A_513, %sign3A_530 : i32
        %sign3A_532 = arith.extui %sign3A_531 : i1 to i32
        %sign3A_533 = arith.subi %sign3A_529, %sign3A_532 : i32
        %sign3A_534 = arith.constant 0 : i32
        %sign3A_535 = arith.cmpi sgt, %jit3A_525, %sign3A_534 : i32
        %sign3A_536 = arith.extui %sign3A_535 : i1 to i32
        %sign3A_537 = arith.constant 0 : i32
        %sign3A_538 = arith.cmpi slt, %jit3A_525, %sign3A_537 : i32
        %sign3A_539 = arith.extui %sign3A_538 : i1 to i32
        %sign3A_540 = arith.subi %sign3A_536, %sign3A_539 : i32
        %ne3A_541 = arith.cmpi ne, %sign3A_533, %sign3A_540 : i32
        %rem3A_542 = arith.remsi %scan3A_513, %jit3A_525 : i32
        %ne3A_543 = arith.constant 0 : i32
        %ne3A_544 = arith.cmpi ne, %rem3A_542, %ne3A_543 : i32
        %and3A_545 = arith.andi %ne3A_541, %ne3A_544 : i1
        %sub3A_546 = arith.constant 1 : i32
        %sub3A_547 = arith.subi %div3A_526, %sub3A_546 : i32
        %select_n3A_548 = arith.select %and3A_545, %sub3A_547, %div3A_526 : i32
        %mul3A_549 = arith.constant 16 : i32
        %mul3A_550 = arith.muli %mul3A_549, %select_n3A_548 : i32
        %sub3A_551 = arith.subi %mul3A_524, %mul3A_550 : i32
        %add3A_552 = vector.broadcast %sub3A_551 : i32 to vector<16xi32>
        %add3A_553 = arith.addi %shift_right_arithmetic3A_522, %add3A_552 : vector<16xi32>
        %lt3A_554 = arith.constant 0 : i32
        %lt3A_555 = vector.broadcast %lt3A_554 : i32 to vector<16xi32>
        %lt3A_556 = arith.cmpi slt, %add3A_553, %lt3A_555 : vector<16xi32>
        %add3A_557 = arith.constant 16 : i32
        %add3A_558 = vector.broadcast %add3A_557 : i32 to vector<16xi32>
        %add3A_559 = arith.addi %add3A_553, %add3A_558 : vector<16xi32>
        %select_n3A_560 = arith.select %lt3A_556, %add3A_559, %add3A_553 : vector<16xi1>, vector<16xi32>
        %broadcast_in_dim3A_561 = vector.shape_cast %select_n3A_560 : vector<16xi32> to vector<16x1xi32>
        %gather3A = vector.shape_cast %broadcast_in_dim3A_561 : vector<16x1xi32> to vector<16xi32>
        %gather3A_562 = tpu.dynamic_gather %select_n3A_520[%gather3A] in [0] : vector<16xi32>, vector<16xi32> -> vector<16xi32>
        %bitcast3A_563 = vector.bitcast %gather3A_562 : vector<16xi32> to vector<16xi32>
        %shift_right_logical3A = arith.shrui %bitcast3A_563, %shift_left3A_427 : vector<16xi32>
        %and3A_564 = arith.andi %shift_right_logical3A, %broadcast_in_dim3A_431 : vector<16xi32>
        %shift_left3A_565 = arith.constant 7 : i32
        %shift_left3A_566 = vector.broadcast %shift_left3A_565 : i32 to vector<16xi32>
        %shift_left3A_567 = arith.shli %and3A_564, %shift_left3A_566 : vector<16xi32>
        %or3A = arith.ori %and3A_564, %shift_left3A_567 : vector<16xi32>
        %shift_left3A_568 = arith.constant 14 : i32
        %shift_left3A_569 = vector.broadcast %shift_left3A_568 : i32 to vector<16xi32>
        %shift_left3A_570 = arith.shli %and3A_564, %shift_left3A_569 : vector<16xi32>
        %or3A_571 = arith.ori %or3A, %shift_left3A_570 : vector<16xi32>
        %shift_left3A_572 = arith.constant 21 : i32
        %shift_left3A_573 = vector.broadcast %shift_left3A_572 : i32 to vector<16xi32>
        %shift_left3A_574 = arith.shli %and3A_564, %shift_left3A_573 : vector<16xi32>
        %or3A_575 = arith.ori %or3A_571, %shift_left3A_574 : vector<16xi32>
        %and3A_576 = arith.andi %or3A_575, %broadcast_in_dim3A_429 : vector<16xi32>
        %mul3A_577 = arith.constant 256 : i32
        %mul3A_578 = arith.muli %mul3A_577, %scan3A_485 : i32
        %mul3A_579 = arith.constant 16 : i32
        %mul3A_580 = arith.muli %mul3A_579, %scan3A_513 : i32
        %add3A_581 = arith.addi %mul3A_578, %mul3A_580 : i32
        %bitcast3A_582 = vector.bitcast %and3A_576 : vector<16xi32> to vector<16xi32>
        %swap3A = arith.index_cast %add3A_581 : i32 to index
        %swap3A_583 = tpu.vector_load %arg9[%swap3A] {strides = array<i32>} : memref<1024xi32, #tpu.memory_space<vmem>>, vector<16xi32>,
        tpu.vector_store %arg9[%swap3A], %bitcast3A_582 {strides = array<i32>} : memref<1024xi32, #tpu.memory_space<vmem>>, vector<16xi32>,
      }
      %scan3A_501 = arith.constant 16 : i32
      %mul3A_502 = arith.constant 256 : i32
      %mul3A_503 = arith.muli %mul3A_502, %scan3A_485 : i32
      %mul3A_504 = arith.constant 4 : i32
      %mul3A_505 = arith.muli %mul3A_504, %add3A : i32
      %add3A_506 = arith.addi %mul3A_505, %scan3A_485 : i32
      %mul3A_507 = arith.constant 256 : i32
      %mul3A_508 = arith.muli %add3A_506, %mul3A_507 : i32
      %dma_start3A_509 = tpu.memref_slice %arg9[%mul3A_503] : memref<1024xi32, #tpu.memory_space<vmem>> -> memref<256xi32, #tpu.memory_space<vmem>>
      %dma_start3A_510 = tpu.memref_slice %arg5[%mul3A_508] : memref<16384xi32, #tpu.memory_space<hbm>> -> memref<256xi32, #tpu.memory_space<hbm>>
      %dma_start3A_511 = tpu.memref_slice %arg5[%mul3A_508] : memref<16384xi32, #tpu.memory_space<hbm>> -> memref<256xi32, #tpu.memory_space<hbm>>
      %dma_start3A_512 = tpu.memref_slice %arg9[%mul3A_503] : memref<1024xi32, #tpu.memory_space<vmem>> -> memref<256xi32, #tpu.memory_space<vmem>>
      tpu.enqueue_dma source(%dma_start3A_512 : memref<256xi32, #tpu.memory_space<vmem>>) target(%dma_start3A_511 : memref<256xi32, #tpu.memory_space<hbm>>) target_semaphore(%arg10 : memref<!tpu.dma_semaphore, #tpu.memory_space<semaphore_mem>>)
    }
    %scan3A_436 = arith.constant 4 : i32
    %mul3A_437 = arith.constant 4 : i32
    %mul3A_438 = arith.muli %mul3A_437, %add3A : i32
    %add3A_439 = arith.constant 0 : i32
    %add3A_440 = arith.addi %mul3A_438, %add3A_439 : i32
    %mul3A_441 = arith.constant 256 : i32
    %mul3A_442 = arith.muli %add3A_440, %mul3A_441 : i32
    %dma_wait3A_443 = arith.constant 0 : i32
    %dma_wait3A_444 = tpu.memref_slice %arg9[%dma_wait3A_443] : memref<1024xi32, #tpu.memory_space<vmem>> -> memref<256xi32, #tpu.memory_space<vmem>>
    %dma_wait3A_445 = tpu.memref_slice %arg5[%mul3A_442] : memref<16384xi32, #tpu.memory_space<hbm>> -> memref<256xi32, #tpu.memory_space<hbm>>
    %dma_wait3A_446 = tpu.memref_slice %arg5[%mul3A_442] : memref<16384xi32, #tpu.memory_space<hbm>> -> memref<256xi32, #tpu.memory_space<hbm>>
    %dma_wait3A_447 = arith.constant 0 : i32
    %dma_wait3A_448 = tpu.memref_slice %arg9[%dma_wait3A_447] : memref<1024xi32, #tpu.memory_space<vmem>> -> memref<256xi32, #tpu.memory_space<vmem>>
    tpu.wait_dma2 semaphore(%arg10 : memref<!tpu.dma_semaphore, #tpu.memory_space<semaphore_mem>>) src(%dma_wait3A_448 : memref<256xi32, #tpu.memory_space<vmem>>) dst(%dma_wait3A_446 : memref<256xi32, #tpu.memory_space<hbm>>)
    %mul3A_449 = arith.constant 4 : i32
    %mul3A_450 = arith.muli %mul3A_449, %add3A : i32
    %add3A_451 = arith.constant 1 : i32
    %add3A_452 = arith.addi %mul3A_450, %add3A_451 : i32
    %mul3A_453 = arith.constant 256 : i32
    %mul3A_454 = arith.muli %add3A_452, %mul3A_453 : i32
    %dma_wait3A_455 = arith.constant 256 : i32
    %dma_wait3A_456 = tpu.memref_slice %arg9[%dma_wait3A_455] : memref<1024xi32, #tpu.memory_space<vmem>> -> memref<256xi32, #tpu.memory_space<vmem>>
    %dma_wait3A_457 = tpu.memref_slice %arg5[%mul3A_454] : memref<16384xi32, #tpu.memory_space<hbm>> -> memref<256xi32, #tpu.memory_space<hbm>>
    %dma_wait3A_458 = tpu.memref_slice %arg5[%mul3A_454] : memref<16384xi32, #tpu.memory_space<hbm>> -> memref<256xi32, #tpu.memory_space<hbm>>
    %dma_wait3A_459 = arith.constant 256 : i32
    %dma_wait3A_460 = tpu.memref_slice %arg9[%dma_wait3A_459] : memref<1024xi32, #tpu.memory_space<vmem>> -> memref<256xi32, #tpu.memory_space<vmem>>
    tpu.wait_dma2 semaphore(%arg10 : memref<!tpu.dma_semaphore, #tpu.memory_space<semaphore_mem>>) src(%dma_wait3A_460 : memref<256xi32, #tpu.memory_space<vmem>>) dst(%dma_wait3A_458 : memref<256xi32, #tpu.memory_space<hbm>>)
    %mul3A_461 = arith.constant 4 : i32
    %mul3A_462 = arith.muli %mul3A_461, %add3A : i32
    %add3A_463 = arith.constant 2 : i32
    %add3A_464 = arith.addi %mul3A_462, %add3A_463 : i32
    %mul3A_465 = arith.constant 256 : i32
    %mul3A_466 = arith.muli %add3A_464, %mul3A_465 : i32
    %dma_wait3A_467 = arith.constant 512 : i32
    %dma_wait3A_468 = tpu.memref_slice %arg9[%dma_wait3A_467] : memref<1024xi32, #tpu.memory_space<vmem>> -> memref<256xi32, #tpu.memory_space<vmem>>
    %dma_wait3A_469 = tpu.memref_slice %arg5[%mul3A_466] : memref<16384xi32, #tpu.memory_space<hbm>> -> memref<256xi32, #tpu.memory_space<hbm>>
    %dma_wait3A_470 = tpu.memref_slice %arg5[%mul3A_466] : memref<16384xi32, #tpu.memory_space<hbm>> -> memref<256xi32, #tpu.memory_space<hbm>>
    %dma_wait3A_471 = arith.constant 512 : i32
    %dma_wait3A_472 = tpu.memref_slice %arg9[%dma_wait3A_471] : memref<1024xi32, #tpu.memory_space<vmem>> -> memref<256xi32, #tpu.memory_space<vmem>>
    tpu.wait_dma2 semaphore(%arg10 : memref<!tpu.dma_semaphore, #tpu.memory_space<semaphore_mem>>) src(%dma_wait3A_472 : memref<256xi32, #tpu.memory_space<vmem>>) dst(%dma_wait3A_470 : memref<256xi32, #tpu.memory_space<hbm>>)
    %mul3A_473 = arith.constant 4 : i32
    %mul3A_474 = arith.muli %mul3A_473, %add3A : i32
    %add3A_475 = arith.constant 3 : i32
    %add3A_476 = arith.addi %mul3A_474, %add3A_475 : i32
    %mul3A_477 = arith.constant 256 : i32
    %mul3A_478 = arith.muli %add3A_476, %mul3A_477 : i32
    %dma_wait3A_479 = arith.constant 768 : i32
    %dma_wait3A_480 = tpu.memref_slice %arg9[%dma_wait3A_479] : memref<1024xi32, #tpu.memory_space<vmem>> -> memref<256xi32, #tpu.memory_space<vmem>>
    %dma_wait3A_481 = tpu.memref_slice %arg5[%mul3A_478] : memref<16384xi32, #tpu.memory_space<hbm>> -> memref<256xi32, #tpu.memory_space<hbm>>
    %dma_wait3A_482 = tpu.memref_slice %arg5[%mul3A_478] : memref<16384xi32, #tpu.memory_space<hbm>> -> memref<256xi32, #tpu.memory_space<hbm>>
    %dma_wait3A_483 = arith.constant 768 : i32
    %dma_wait3A_484 = tpu.memref_slice %arg9[%dma_wait3A_483] : memref<1024xi32, #tpu.memory_space<vmem>> -> memref<256xi32, #tpu.memory_space<vmem>>
    tpu.wait_dma2 semaphore(%arg10 : memref<!tpu.dma_semaphore, #tpu.memory_space<semaphore_mem>>) src(%dma_wait3A_484 : memref<256xi32, #tpu.memory_space<vmem>>) dst(%dma_wait3A_482 : memref<256xi32, #tpu.memory_space<hbm>>)
    return
  }
}

</mosaic_0001>

<sc_bundles>
// kernel: kernel.3.cloned.1.call-start
scs
__scs_entry_jumppad:
0x0: {  	(pc) =	sbr.rel $0x88, $3  }
0x1: {  	(tag) =	ssettag $0x0;
	lr =	simm.s32 $0x1  }
0x2: {  	[smem:$0x3F9E] =	sst lr;
	_ =	strace $0xD0000000  }
0x3: {  	_ = 	snop  }
0x4: {  	_ = 	snop  }
0x5: {  	_ = 	snop  }
0x6: {  	_ = 	snop  }
0x7: {  	_ = 	snop  }
__scs_overlays_trampoline_lowered:
0x8: {  	[smem:$0x3FAD] =	sst s0  }
0x9: {  	[smem:$0x3FAE] =	sst s1  }
0xa: {  	[smem:$0x3FAF] =	sst s2  }
0xb: {  	[smem:$0x3FB0] =	sst s3  }
0xc: {  	[smem:$0x3FB1] =	sst s4  }
0xd: {  	[smem:$0x3FB2] =	sst s5  }
0xe: {  	[smem:$0x3FB3] =	sst s6  }
0xf: {  	[smem:$0x3FB4] =	sst s7  }
0x10: {  	[smem:$0x3FB5] =	sst s8  }
0x11: {  	[smem:$0x3FB6] =	sst s9;
	s0 =	simm.s32 @!p0 $0x0  }
0x12: {  	s1 =	sld [smem:$0x3F9C];
	s0 =	simm.s32 @p0 $0x1  }
0x13: {  	[smem:$0x3FB7] =	sst s0;
	s0 =	simm.s32 @!p1 $0x0  }
0x14: {  	s2 =	sld [smem:$0x3F9B];
	s0 =	simm.s32 @p1 $0x1  }
0x15: {  	[smem:$0x3FB8] =	sst s0;
	s0 =	simm.s32 @!p2 $0x0  }
0x16: {  	s3 =	sld [smem:$0x3FDB];
	s0 =	simm.s32 @p2 $0x1  }
0x17: {  	s4 =	simm.s32 $0x1BF5;
	[smem:$0x3FBA] =	sst s0  }
0x18: {  	s0 =	sld [smem:$0x3F9D];
	_ =	swait.ge [sflag:s4], $0x0  }
0x19: {  	s7 =	sld [smem:$0x3F9E]  }
0x1a: {  	s8 =	sadd.s32 $0xFFFFE003, lr  }
0x1b: {  	s9 =	sadd.s32 $0xFFFFFEF7, lr;
	s5 =	simm.s32 $0xFFFFFFFF;
	p2 =	slt.u32 s8, $0xFFFFF086  }
0x1c: {  	p1 =	slt.u32 s9, $0xF7A;
	s5 =	simm.s32 @!p2 $0x0  }
0x1d: {  	s5 =	simm.s32 @p1 $0x1;
	p0 =	seq.s32 s7, s2  }
0x1e: {  	s7 =	smul.u32 @!p0 $0xF7A, s2;
	p2 =	seq.s32 @!p0 s5, $0x0  }
0x1f: {  	s9 =	smul.u32 $0xF7A, s1;
	s8 =	simm.s32 @!p0 $0x1BF5;
	p2 =	por !p2, p0  }
0x20: {  	[sflag:s8] =	ssyncset.s32 @!p0 $0xFFFFF086;
	s6 =	sadd.s32 @!p0 s3, s7;
	s7 =	simm.s32 @!p0 $0x108  }
0x21: {  	s3 =	sadd.s32 s3, s9;
	s6 =	sadd.s32 @!p0 $0x88, s6;
	s7 =	simm.s32 @p2 $0x1082  }
0x22: {  	[simem:s7], [sflag:s8] =	dma.local @!p0 [hbm:s6], $0xF7A  }
0x23: {  	s9 =	sor.u32 $0xD0000000, s2;
	s6 =	simm.s32 $0x108;
	_ =	swait.ge @!p0 [sflag:s8], $0x0  }
0x24: {  	s3 =	sadd.s32 $0x88, s3;
	s6 =	simm.s32 @!p1 $0x1082;
	[sflag:s4] =	ssyncset.s32 $0xFFFFF086  }
0x25: {  	[simem:s6], [sflag:s4] =	dma.local [hbm:s3], $0xF7A  }
0x26: {  	[smem:$0x3F9E] =	sst s1;
	(tag) =	ssettag s2;
	_ =	strace s9  }
0x27: {  	s1 =	sld [smem:$0x3FAE]  }
0x28: {  	s2 =	sld [smem:$0x3FAF]  }
0x29: {  	s4 =	sld [smem:$0x3FB1]  }
0x2a: {  	p0 =	seq.s32 s5, $0x0;
	s5 =	sld [smem:$0x3FB2]  }
0x2b: {  	s6 =	sld [smem:$0x3FB3]  }
0x2c: {  	s7 =	sld [smem:$0x3FB4]  }
0x2d: {  	s3 =	simm.s32 $0x108;
	s8 =	sld [smem:$0x3FB5]  }
0x2e: {  	s3 =	simm.s32 @!p0 $0x1082;
	s9 =	sld [smem:$0x3FB6]  }
0x2f: {  	lr =	sadd.s32 s0, s3;
	s0 =	sld [smem:$0x3FAD]  }
0x30: {  	s3 =	sld [smem:$0x3FB0]  }
0x31: {  	[smem:$0x3FB9] =	sst s10  }
0x32: {  	s10 =	sld [smem:$0x3FB7];
	_ =	sdelay $0x3  }
0x33: {  	p0 =	seq.s32 s10, $0x1;
	s10 =	sld [smem:$0x3FB9];
	_ =	sdelay $0x3  }
0x34: {  	[smem:$0x3FB9] =	sst s10  }
0x35: {  	s10 =	sld [smem:$0x3FB8];
	_ =	sdelay $0x3  }
0x36: {  	p1 =	seq.s32 s10, $0x1;
	s10 =	sld [smem:$0x3FB9];
	_ =	sdelay $0x3  }
0x37: {  	[smem:$0x3FB9] =	sst s10  }
0x38: {  	s10 =	sld [smem:$0x3FBA]  }
0x39: {  	_ = 	snop;
	(pc) =	sbr.ind lr, $3  }
0x3a: {  	_ = 	snop  }
0x3b: {  	_ = 	snop  }
0x3c: {  	p2 =	seq.s32 s10, $0x1;
	s10 =	sld [smem:$0x3FB9]  }
0x3d: {  	_ =	shalt  }
0x3e: {  	_ =	shalt  }
0x3f: {  	_ =	shalt  }
0x40: {  	_ =	shalt  }
0x41: {  	_ =	shalt  }
0x42: {  	_ =	shalt  }
0x43: {  	_ =	shalt  }
0x44: {  	_ =	shalt  }
0x45: {  	_ =	shalt  }
0x46: {  	_ =	shalt  }
0x47: {  	_ =	shalt  }
0x48: {  	_ =	shalt  }
0x49: {  	_ =	shalt  }
0x4a: {  	_ =	shalt  }
0x4b: {  	_ =	shalt  }
0x4c: {  	_ =	shalt  }
0x4d: {  	_ =	shalt  }
0x4e: {  	_ =	shalt  }
0x4f: {  	_ =	shalt  }
0x50: {  	_ =	shalt  }
0x51: {  	_ =	shalt  }
0x52: {  	_ =	shalt  }
0x53: {  	_ =	shalt  }
0x54: {  	_ =	shalt  }
0x55: {  	_ =	shalt  }
0x56: {  	_ =	shalt  }
0x57: {  	_ =	shalt  }
0x58: {  	_ =	shalt  }
0x59: {  	_ =	shalt  }
0x5a: {  	_ =	shalt  }
0x5b: {  	_ =	shalt  }
0x5c: {  	_ =	shalt  }
0x5d: {  	_ =	shalt  }
0x5e: {  	_ =	shalt  }
0x5f: {  	_ =	shalt  }
0x60: {  	_ =	shalt  }
0x61: {  	_ =	shalt  }
0x62: {  	_ =	shalt  }
0x63: {  	_ =	shalt  }
0x64: {  	_ =	shalt  }
0x65: {  	_ =	shalt  }
0x66: {  	_ =	shalt  }
0x67: {  	_ =	shalt  }
0x68: {  	_ =	shalt  }
0x69: {  	_ =	shalt  }
0x6a: {  	_ =	shalt  }
0x6b: {  	_ =	shalt  }
0x6c: {  	_ =	shalt  }
0x6d: {  	_ =	shalt  }
0x6e: {  	_ =	shalt  }
0x6f: {  	_ =	shalt  }
0x70: {  	_ =	shalt  }
0x71: {  	_ =	shalt  }
0x72: {  	_ =	shalt  }
0x73: {  	_ =	shalt  }
0x74: {  	_ =	shalt  }
0x75: {  	_ =	shalt  }
0x76: {  	_ =	shalt  }
0x77: {  	_ =	shalt  }
0x78: {  	_ =	shalt  }
0x79: {  	_ =	shalt  }
0x7a: {  	_ =	shalt  }
0x7b: {  	_ =	shalt  }
0x7c: {  	_ =	shalt  }
0x7d: {  	_ =	shalt  }
0x7e: {  	_ =	shalt  }
0x7f: {  	_ =	shalt  }
0x80: {  	_ =	shalt  }
0x81: {  	_ =	shalt  }
0x82: {  	_ =	shalt  }
0x83: {  	_ =	shalt  }
0x84: {  	_ =	shalt  }
0x85: {  	_ =	shalt  }
0x86: {  	_ =	shalt  }
0x87: {  	_ =	shalt  }
.Lfunc_end0:
.L_simem_size_0:
called_computation_lowered:
.L_overlay_start_0:
0x88: {  	s0 =	sld [smem:$0x3FD9]  }
0x89: {  	s1 =	sld [smem:$0x3FFE];
	_ =	sdelay $0x3  }
0x8a: {  	s0 =	sadd.s32 s1, s0  }
0x8b: {  	[smem:$0x3FC5] =	sst s0  }
0x8c: {  	_ = 	snop  }
0x8d: {  	s0 =	sld [smem:$0x3FD0]  }
0x8e: {  	s14 =	sld [smem:$0x3FC9]  }
0x8f: {  	s2 =	sld [smem:$0x3FC8]  }
0x90: {  	s4 =	simm.s32 $0xA;
	s5 =	simm.s32 $0x10;
	s3 =	sld [smem:$0x3FC7]  }
0x91: {  	[smem:s5], [sflag:s4] =	dma.local [hbm:s0], $0x1  }
0x92: {  	_ =	swait.eq [sflag:s4], $0x1  }
0x93: {  	[sflag:s4] =	ssyncset.done $0x0  }
0x94: {  	[sflag:s4] =	ssyncadd.s32 $0xFFFFFFFF  }
0x95: {  	s15 =	sld [smem:$0x11];
	(tm) =	ssettm $0x1  }
0x96: {  	s16 =	sld [smem:$0x3FFB];
	_ =	sdelay $0x3  }
0x97: {  	_ =	strace s16  }
0x98: {  	s4 =	sld [smem:$0x3FFC];
	_ =	sdelay $0x3  }
0x99: {  	_ =	strace s4  }
0x9a: {  	s4 =	sld [smem:$0x3FFD];
	_ =	sdelay $0x3  }
0x9b: {  	_ =	strace s4  }
0x9c: {  	_ =	strace $0x8FFFFFFF  }
0x9d: {  	s17 =	sld [smem:$0x3FDB];
	_ =	sdelay $0x1  }
0x9e: {  	s18 =	simm.s32 $_scs_section_size  }
0x9f: {  	s6 =	simm.s32 $_size__tile_overlayer_lowered;
	s7 =	simm.s32 $_tile_overlayer_lowered  }
0xa0: {  	s21 =	simm.s32 $0x1BFF;
	s20 =	sshll.u32 s7, $0x1;
	s4 =	sadd.s32 s18, s17  }
0xa1: {  	s8 =	simm.s32 $0x0;
	s19 =	sshll.u32 s6, $0x1;
	s6 =	sadd.s32 s20, s4  }
0xa2: {  	[timem:s8], [sflag:s21] =	dma.local [hbm:s6], s19  }
0xa3: {  	_ =	swait.ge [sflag:s21], s19  }
0xa4: {  	s5 =	ssub.s32 $0x0, s19;
	[sflag:s21] =	ssyncset.done $0x0  }
0xa5: {  	[sflag:s21] =	ssyncadd.s32 s5;
	_ =	sdelay $0x1  }
0xa6: {  	s22 =	simm.s32 $0x1B8B  }
0xa7: {  	_ =	swait.ge [sflag:s22], $0x1  }
0xa8: {  	[sflag:s22] =	ssyncset.done $0x0  }
0xa9: {  	s23 =	simm.s32 $0x1B8E;
	[sflag:s22] =	ssyncadd.s32 $0xFFFFFFFF  }
0xaa: {  	s24 =	simm.s32 $execute0_lowered;
	[smem:$0x3FD2] =	sst s23  }
0xab: {  	s5 =	sshll.u32 s24, $0x1;
	_ =	strace $0x80000046;
	[dreg:$0x1] =	wrdreg $0xFFFFFFFF  }
0xac: {  	s25 =	simm.s32 $_size_execute0_lowered;
	s4 =	sadd.s32 s4, s5;
	[dreg:$0x0] =	wrdreg $0x0  }
0xad: {  	s5 =	sshll.u32 s25, $0x1;
	[dreg:$0x2] =	wrdreg s4  }
0xae: {  	[dreg:$0x3] =	wrdreg s5  }
0xaf: {  	[dreg:$0x4] =	wrdreg $0xC0  }
0xb0: {  	_ =	task [dreg:s8], $0x5FFFF  }
0xb1: {  	[dreg:$0x1] =	wrdreg $0xFFFFFFFF  }
0xb2: {  	[dreg:$0x0] =	wrdreg $0x60  }
0xb3: {  	[dreg:$0x2] =	wrdreg s14  }
0xb4: {  	[dreg:$0x3] =	wrdreg s2  }
0xb5: {  	[dreg:$0x4] =	wrdreg s3  }
0xb6: {  	[dreg:$0x5] =	wrdreg s15  }
0xb7: {  	[dreg:$0x6] =	wrdreg $0x9  }
0xb8: {  	_ =	task.clear_ibuf [dreg:s8], $0x7FFFF;
	_ =	strace $0x90000046  }
0xb9: {  	s26 =	simm.s32 $0x9;
	_ =	strace $0x80000048  }
0xba: {  	_ =	swait.ge [sflag:s26], $0x1  }
0xbb: {  	[sflag:s26] =	ssyncadd.s32 $0xFFFFFFFF  }
0xbc: {  	_ =	strace $0x90000048  }
0xbd: {  	_ =	sfence  }
0xbe: {  	s28 =	sld [smem:$0x0];
	_ =	sdelay $0x1  }
0xbf: {  	s29 =	srdreg.scid  }
0xc0: {  	s30 =	sshll.u32 s29, $0xD;
	s31 =	sshrl.u32 s29, $0x2  }
0xc1: {  	s1 =	sand.u32 $0x1, s29;
	s2 =	sand.u32 $0x4000, s30;
	s0 =	sadd.s32 s31, s28  }
0xc2: {  	s1 =	sor.u32 s2, s1;
	s0 =	sshll.u32 s0, $0x11  }
0xc3: {  	s0 =	sor.u32 s0, s1  }
0xc4: {  	s0 =	sadd.s32 $0x8F2B, s0  }
0xc5: {  	[sflag:s0] =	ssyncadd.remote.s32 $0x1  }
0xc6: {  	_ =	sfence.sel $0xFFFF  }
0xc7: {  	[dreg:$0x0] =	wrdreg $0xFFFFFFFF;
	(pc) =	sbr.abs _section_cstart, $3  }
0xc8: {  	[dreg:$0x1] =	wrdreg $0xFFFFFFFF  }
0xc9: {  	_ =	task.clear_ibuf [dreg:s8], $0x2FFFF;
	_ =	strace $0x9FFFFFFF  }
0xca: {  	(tm) =	ssettm $0x7FFFFFFF  }
0xcb: {  	_ =	shalt  }
tec
execute0_lowered:
.L_overlay_start_1:
0x0: {  	(tag) =	ssettag $0x1  }
0x1: {  	s4 =	rddreg [dreg:$0x0]  }
0x2: {  	s5 =	rddreg [dreg:$0x1]  }
0x3: {  	s6 =	rddreg [dreg:$0x2]  }
0x4: {  	s3 =	rddreg [dreg:$0x3];
	s2 =	simm.s32 $0x0  }
0x5: {  	[smem:$0x7FF] =	sst s2  }
0x6: {  	s0 =	rddreg [dreg:$0x4];
	v0 =	vimm.f32 $7.500000000e-01;
	_ =	strace $0x80000047  }
0x7: {  	(erf) = vrcp.f32 v0;
	_ =	sdelay $0x1  }
0x8: {  	s1 =	stileid.u32  }
0x9: {  	s7 =	sshll.u32 s1, $0x1  }
0xa: {  	s4 =	sadd.s32 s4, s7  }
0xb: {  	[tilespmem:s2], [sflag:$0x1] =	stream.linear.gather [hbm4b:s4+s2], $0x10, $0x38;
	[tilespmem:$0x580] =	vst v63  }
0xc: {  	s20 =	simm.s32 $0x80;
	s19 =	sadd.s32 s5, s7  }
0xd: {  	[tilespmem:s20], [sflag:$0x1] =	stream.linear.gather [hbm4b:s19+s2], $0x10, $0x38;
	[tilespmem:$0x580] =	vst v63  }
0xe: {  	s22 =	simm.s32 $0x100;
	s23 =	simm.s32 $0x1;
	s21 =	sadd.s32 s6, s7  }
0xf: {  	[tilespmem:s22], [sflag:$0x1] =	stream.linear.gather [hbm4b:s21+s2], $0x10, $0x38;
	v1 =	vpop (erf);
	[tilespmem:$0x580] =	vst v63  }
0x10: {  	_ =	swait.ge [sflag:s23], $0x10  }
0x11: {  	[sflag:s23] =	ssyncset.done $0x0  }
0x12: {  	[sflag:s23] =	ssyncadd.s32 $0xFFFFFFF0  }
0x13: {  	_ =	swait.ge [sflag:s23], $0x10  }
0x14: {  	[sflag:s23] =	ssyncset.done $0x0  }
0x15: {  	[sflag:s23] =	ssyncadd.s32 $0xFFFFFFF0  }
0x16: {  	_ =	swait.ge [sflag:s23], $0x10  }
0x17: {  	[sflag:s23] =	ssyncset.done $0x0  }
0x18: {  	[sflag:s23] =	ssyncadd.s32 $0xFFFFFFF0  }
0x19: {  	v0 =	vld [tilespmem:$0x0];
	_ =	sdelay $0x4  }
0x1a: {  	v0 =	vmul.f32 $5.000000070e-02, v0;
	_ =	sdelay $0x1  }
0x1b: {  	v0 =	vadd.f32 $1.500000060e-01, v0;
	_ =	sdelay $0x1  }
0x1c: {  	v0 =	vmul.f32 $1.024000000e+03, v0;
	_ =	sdelay $0x1  }
0x1d: {  	v0 =	vtrunc.f32 v0  }
0x1e: {  	v0 =	vcvt.f32.s32 v0;
	_ =	sdelay $0x1  }
0x1f: {  	v2 =	vcvt.s32.f32 v0;
	_ =	sdelay $0x1  }
0x20: {  	v2 =	vmul.f32 v2, v1;
	_ =	sdelay $0x1  }
0x21: {  	v1 =	vimm.s32 $0x0;
	vm0 =	vge.f32 v2, $1.000000000e+00;
	vm1 =	vge.f32 v2, $4.000000000e+00  }
0x22: {  	vm14 =	vge.f32 v2, $9.000000000e+00;
	v3 =	vsel vm0, $0x1, v1;
	v4 =	vsel vm1, $0x1, v1  }
0x23: {  	vm15 =	vge.f32 v2, $1.600000000e+01;
	v3 =	vadd.s32 v4, v3;
	v4 =	vsel vm14, $0x1, v1  }
0x24: {  	vm4 =	vge.f32 v2, $2.499999810e+01;
	v3 =	vadd.s32 v4, v3;
	v4 =	vsel vm15, $0x1, v1  }
0x25: {  	vm5 =	vge.f32 v2, $3.600000000e+01;
	v3 =	vadd.s32 v4, v3;
	v4 =	vsel vm4, $0x1, v1  }
0x26: {  	vm6 =	vge.f32 v2, $4.900000000e+01;
	v3 =	vadd.s32 v4, v3;
	v4 =	vsel vm5, $0x1, v1  }
0x27: {  	vm7 =	vge.f32 v2, $6.400000000e+01;
	v3 =	vadd.s32 v4, v3;
	v4 =	vsel vm6, $0x1, v1  }
0x28: {  	vm8 =	vge.f32 v2, $8.099999240e+01;
	v3 =	vadd.s32 v4, v3;
	v4 =	vsel vm7, $0x1, v1  }
0x29: {  	vm9 =	vge.f32 v2, $9.999999230e+01;
	v3 =	vadd.s32 v4, v3;
	v4 =	vsel vm8, $0x1, v1  }
0x2a: {  	vm10 =	vge.f32 v2, $1.209999920e+02;
	v3 =	vadd.s32 v4, v3;
	v4 =	vsel vm9, $0x1, v1  }
0x2b: {  	vm11 =	vge.f32 v2, $1.440000000e+02;
	v3 =	vadd.s32 v4, v3;
	v4 =	vsel vm10, $0x1, v1  }
0x2c: {  	vm12 =	vge.f32 v2, $1.690000000e+02;
	v3 =	vadd.s32 v4, v3;
	v4 =	vsel vm11, $0x1, v1  }
0x2d: {  	vm13 =	vge.f32 v2, $1.960000000e+02;
	v3 =	vadd.s32 v4, v3;
	v4 =	vsel vm12, $0x1, v1  }
0x2e: {  	vm14 =	vge.f32 v2, $2.250000000e+02;
	v3 =	vadd.s32 v4, v3;
	v4 =	vsel vm13, $0x1, v1  }
0x2f: {  	vm15 =	vge.f32 v2, $2.560000000e+02;
	v3 =	vadd.s32 v4, v3;
	v4 =	vsel vm14, $0x1, v1  }
0x30: {  	vm4 =	vge.f32 v2, $2.889999690e+02;
	v3 =	vadd.s32 v4, v3;
	v4 =	vsel vm15, $0x1, v1  }
0x31: {  	vm5 =	vge.f32 v2, $3.239999690e+02;
	v3 =	vadd.s32 v4, v3;
	v4 =	vsel vm4, $0x1, v1  }
0x32: {  	vm6 =	vge.f32 v2, $3.609999690e+02;
	v3 =	vadd.s32 v4, v3;
	v4 =	vsel vm5, $0x1, v1  }
0x33: {  	vm7 =	vge.f32 v2, $3.999999690e+02;
	v3 =	vadd.s32 v4, v3;
	v4 =	vsel vm6, $0x1, v1  }
0x34: {  	vm8 =	vge.f32 v2, $4.409999690e+02;
	v3 =	vadd.s32 v4, v3;
	v4 =	vsel vm7, $0x1, v1  }
0x35: {  	vm9 =	vge.f32 v2, $4.839999690e+02;
	v3 =	vadd.s32 v4, v3;
	v4 =	vsel vm8, $0x1, v1  }
0x36: {  	vm10 =	vge.f32 v2, $5.290000000e+02;
	v3 =	vadd.s32 v4, v3;
	v4 =	vsel vm9, $0x1, v1  }
0x37: {  	vm11 =	vge.f32 v2, $5.760000000e+02;
	v3 =	vadd.s32 v4, v3;
	v4 =	vsel vm10, $0x1, v1  }
0x38: {  	vm12 =	vge.f32 v2, $6.250000000e+02;
	v3 =	vadd.s32 v4, v3;
	v4 =	vsel vm11, $0x1, v1  }
0x39: {  	vm13 =	vge.f32 v2, $6.760000000e+02;
	v3 =	vadd.s32 v4, v3;
	v4 =	vsel vm12, $0x1, v1  }
0x3a: {  	vm14 =	vge.f32 v2, $7.290000000e+02;
	v3 =	vadd.s32 v4, v3;
	v4 =	vsel vm13, $0x1, v1  }
0x3b: {  	vm15 =	vge.f32 v2, $7.840000000e+02;
	v3 =	vadd.s32 v4, v3;
	v4 =	vsel vm14, $0x1, v1  }
0x3c: {  	vm4 =	vge.f32 v2, $8.410000000e+02;
	v3 =	vadd.s32 v4, v3;
	v4 =	vsel vm15, $0x1, v1  }
0x3d: {  	vm5 =	vge.f32 v2, $9.000000000e+02;
	v3 =	vadd.s32 v4, v3;
	v4 =	vsel vm4, $0x1, v1  }
0x3e: {  	vm6 =	vge.f32 v2, $9.610000000e+02;
	v3 =	vadd.s32 v4, v3;
	v4 =	vsel vm5, $0x1, v1  }
0x3f: {  	vm7 =	vge.f32 v2, $1.024000000e+03;
	v3 =	vadd.s32 v4, v3;
	v4 =	vsel vm6, $0x1, v1  }
0x40: {  	vm8 =	vge.f32 v2, $1.088999880e+03;
	v3 =	vadd.s32 v4, v3;
	v4 =	vsel vm7, $0x1, v1  }
0x41: {  	v2 =	vadd.s32 v4, v3;
	v3 =	vsel vm8, $0x1, v1  }
0x42: {  	v2 =	vadd.s32 v3, v2  }
0x43: {  	v2 =	vmax.u32 v2, $0x1  }
0x44: {  	v2 =	vmin.u32 v2, $0x20  }
0x45: {  	(v2sf) =	vpush v2, $0x0  }
0x46: {  	(v2sf) =	vpush v0, $0x0  }
0x47: {  	(v2sf) =	vpush v2, $0xF  }
0x48: {  	(v2sf) =	vpush v0, $0xF  }
0x49: {  	(v2sf) =	vpush v2, $0x1  }
0x4a: {  	(v2sf) =	vpush v0, $0x1  }
0x4b: {  	(v2sf) =	vpush v2, $0x2  }
0x4c: {  	(v2sf) =	vpush v0, $0x2  }
0x4d: {  	(v2sf) =	vpush v2, $0x3  }
0x4e: {  	(v2sf) =	vpush v0, $0x3  }
0x4f: {  	(v2sf) =	vpush v2, $0x4  }
0x50: {  	(v2sf) =	vpush v0, $0x4  }
0x51: {  	(v2sf) =	vpush v2, $0x5  }
0x52: {  	(v2sf) =	vpush v0, $0x5  }
0x53: {  	(v2sf) =	vpush v2, $0x6  }
0x54: {  	s24 =	spop (v2sf);
	(v2sf) =	vpush v0, $0x6  }
0x55: {  	s25 =	spop (v2sf);
	(v2sf) =	vpush v2, $0x7  }
0x56: {  	s26 =	spop (v2sf);
	(v2sf) =	vpush v0, $0x7  }
0x57: {  	s9 =	spop (v2sf);
	(v2sf) =	vpush v2, $0x8  }
0x58: {  	s10 =	spop (v2sf);
	(v2sf) =	vpush v0, $0x8  }
0x59: {  	s11 =	spop (v2sf);
	(v2sf) =	vpush v2, $0x9  }
0x5a: {  	s12 =	spop (v2sf)  }
0x5b: {  	s13 =	spop (v2sf)  }
0x5c: {  	s4 =	sshra.s32 s25, $0x1F;
	s14 =	spop (v2sf)  }
0x5d: {  	s6 =	sxor.u32 s4, s25;
	s8 =	sshra.s32 s9, $0x1F;
	s15 =	spop (v2sf)  }
0x5e: {  	s6 =	ssub.s32 s6, s4;
	s28 =	sxor.u32 s8, s9;
	(v2sf) =	vpush v0, $0x9;
	s16 =	spop (v2sf)  }
0x5f: {  	(drf) =	sdiv.u32 s6, s24;
	s29 =	ssub.s32 s28, s8;
	(v2sf) =	vpush v2, $0xA;
	s17 =	spop (v2sf)  }
0x60: {  	s5 =	sshra.s32 s11, $0x1F;
	(drf) =	sdiv.u32 s29, s26;
	(v2sf) =	vpush v0, $0xA;
	s18 =	spop (v2sf)  }
0x61: {  	s30 =	sxor.u32 s5, s11;
	s6 =	sshra.s32 s13, $0x1F;
	(v2sf) =	vpush v2, $0xB;
	s19 =	spop (v2sf)  }
0x62: {  	s7 =	ssub.s32 s30, s5;
	s31 =	sxor.u32 s6, s13;
	(v2sf) =	vpush v0, $0xB;
	s20 =	spop (v2sf)  }
0x63: {  	(drf) =	sdiv.u32 s7, s10;
	s7 =	sshra.s32 s15, $0x1F;
	s21 =	spop (v2sf);
	(v2sf) =	vpush v2, $0xC  }
0x64: {  	s9 =	ssub.s32 s31, s6;
	s11 =	sxor.u32 s7, s15;
	s22 =	spop (v2sf);
	(v2sf) =	vpush v0, $0xC  }
0x65: {  	(drf) =	sdiv.u32 s9, s12;
	s13 =	ssub.s32 s11, s7;
	s23 =	spop (v2sf);
	(v2sf) =	vpush v2, $0xD  }
0x66: {  	s9 =	sshra.s32 s17, $0x1F;
	(drf) =	sdiv.u32 s13, s14;
	s24 =	spop (v2sf);
	(v2sf) =	vpush v0, $0xD  }
0x67: {  	s14 =	sxor.u32 s9, s17;
	s10 =	sshra.s32 s19, $0x1F;
	s25 =	spop (v2sf);
	(v2sf) =	vpush v2, $0xE  }
0x68: {  	s11 =	ssub.s32 s14, s9;
	s19 =	sxor.u32 s10, s19;
	s26 =	spop (v2sf);
	(v2sf) =	vpush v0, $0xE  }
0x69: {  	(drf) =	sdiv.u32 s11, s16;
	s28 =	ssub.s32 s19, s10;
	s13 =	sshra.s32 s21, $0x1F  }
0x6a: {  	(drf) =	sdiv.u32 s28, s18;
	s30 =	sxor.u32 s13, s21;
	s18 =	sshra.s32 s23, $0x1F  }
0x6b: {  	s11 =	ssub.s32 s30, s13;
	s19 =	sxor.u32 s18, s23  }
0x6c: {  	(drf) =	sdiv.u32 s11, s20;
	s11 =	sshra.s32 s25, $0x1F;
	s14 =	ssub.s32 s19, s18  }
0x6d: {  	s12 =	spop (v2sf);
	s23 =	sxor.u32 s11, s25;
	(drf) =	sdiv.u32 s14, s22  }
0x6e: {  	s15 =	spop (v2sf);
	s19 =	ssub.s32 s23, s11;
	s14 =	sshra.s32 s12, $0x1F  }
0x6f: {  	s17 =	spop (v2sf);
	(drf) =	sdiv.u32 s19, s24;
	s12 =	sxor.u32 s14, s12  }
0x70: {  	s29 =	spop (v2sf);
	s12 =	ssub.s32 s12, s14;
	s19 =	sshra.s32 s17, $0x1F  }
0x71: {  	s31 =	spop (v2sf);
	(drf) =	sdiv.u32 s12, s26;
	s17 =	sxor.u32 s19, s17  }
0x72: {  	s12 =	sshra.s32 s31, $0x1F;
	s17 =	ssub.s32 s17, s19;
	s20 =	spop (v2sf)  }
0x73: {  	s21 =	sxor.u32 s12, s31;
	(drf) =	sdiv.u32 s17, s15;
	s25 =	spop (v2sf)  }
0x74: {  	s28 =	ssub.s32 s21, s12;
	s23 =	spop (v2sf);
	s15 =	sshra.s32 s25, $0x1F  }
0x75: {  	(drf) =	sdiv.u32 s28, s29;
	s26 =	spop (v2sf);
	s29 =	sxor.u32 s15, s25  }
0x76: {  	s21 =	spop (v2sf);
	s30 =	ssub.s32 s29, s15;
	s16 =	sshra.s32 s26, $0x1F  }
0x77: {  	s31 =	spop (v2sf);
	(drf) =	sdiv.u32 s30, s20;
	s25 =	sxor.u32 s16, s26  }
0x78: {  	s26 =	spop (drf);
	s17 =	sshra.s32 s31, $0x1F;
	s20 =	ssub.s32 s25, s16  }
0x79: {  	s28 =	spop (drf);
	s30 =	sxor.u32 s4, s26;
	s22 =	sxor.u32 s17, s31  }
0x7a: {  	(drf) =	sdiv.u32 s20, s23;
	s20 =	sxor.u32 s8, s28;
	s29 =	spop (drf)  }
0x7b: {  	s4 =	ssub.s32 s30, s4;
	s22 =	ssub.s32 s22, s17;
	s8 =	ssub.s32 s20, s8  }
0x7c: {  	vm9 =	vcmask $0x300;
	s31 =	spop (drf);
	s20 =	sxor.u32 s5, s29;
	(drf) =	sdiv.u32 s22, s21;
	v3 =	vmov s8  }
0x7d: {  	vm10 =	vcmask $0x704;
	s21 =	ssub.s32 s20, s5;
	s22 =	spop (drf);
	s8 =	sxor.u32 s6, s31;
	v3 =	vsel vm9, s4, v3  }
0x7e: {  	vm11 =	vcmask $0xB08;
	s23 =	ssub.s32 s8, s6;
	s24 =	spop (drf);
	s5 =	sxor.u32 s7, s22;
	v3 =	vsel vm10, s21, v3  }
0x7f: {  	vm12 =	vcmask $0xF0C;
	s25 =	ssub.s32 s5, s7;
	s26 =	spop (drf);
	s6 =	sxor.u32 s9, s24;
	v3 =	vsel vm11, s23, v3  }
0x80: {  	vm13 =	vcmask $0x1310;
	s28 =	ssub.s32 s6, s9;
	s29 =	spop (drf);
	s5 =	sxor.u32 s10, s26;
	v3 =	vsel vm12, s25, v3  }
0x81: {  	vm14 =	vcmask $0x1714;
	s30 =	ssub.s32 s5, s10;
	s31 =	spop (drf);
	s6 =	sxor.u32 s13, s29;
	v3 =	vsel vm13, s28, v3  }
0x82: {  	vm15 =	vcmask $0x1B18;
	s7 =	ssub.s32 s6, s13;
	s8 =	spop (drf);
	s5 =	sxor.u32 s18, s31;
	v3 =	vsel vm14, s30, v3  }
0x83: {  	vm4 =	vcmask $0x1F1C;
	s9 =	ssub.s32 s5, s18;
	s10 =	spop (drf);
	s6 =	sxor.u32 s11, s8;
	v3 =	vsel vm15, s7, v3  }
0x84: {  	vm5 =	vcmask $0x2320;
	s11 =	ssub.s32 s6, s11;
	s13 =	spop (drf);
	s5 =	sxor.u32 s14, s10;
	v3 =	vsel vm4, s9, v3  }
0x85: {  	vm6 =	vcmask $0x2724;
	s18 =	ssub.s32 s5, s14;
	s20 =	spop (drf);
	s6 =	sxor.u32 s19, s13;
	v3 =	vsel vm5, s11, v3  }
0x86: {  	vm7 =	vcmask $0x2B28;
	s21 =	ssub.s32 s6, s19;
	s22 =	spop (drf);
	s5 =	sxor.u32 s12, s20;
	v3 =	vsel vm6, s18, v3  }
0x87: {  	vm8 =	vcmask $0x2F2C;
	s23 =	ssub.s32 s5, s12;
	s24 =	spop (drf);
	s6 =	sxor.u32 s15, s22;
	v3 =	vsel vm7, s21, v3  }
0x88: {  	vm9 =	vcmask $0x3330;
	s25 =	ssub.s32 s6, s15;
	s5 =	sxor.u32 s16, s24;
	s26 =	spop (drf);
	v3 =	vsel vm8, s23, v3  }
0x89: {  	vm10 =	vcmask $0x3734;
	s28 =	ssub.s32 s5, s16;
	s29 =	sxor.u32 s17, s26;
	v3 =	vsel vm9, s25, v3  }
0x8a: {  	vm11 =	vcmask $0x3B38;
	s30 =	ssub.s32 s29, s17;
	v3 =	vsel vm10, s28, v3  }
0x8b: {  	v3 =	vsel vm11, s30, v3  }
0x8c: {  	v4 =	vmul.u32 v2, v3;
	_ =	sdelay $0x1  }
0x8d: {  	vm12 =	vlt.s32 v0, $0x1;
	vm13 =	vne.s32 v0, v4  }
0x8e: {  	vm0 =	vmand vm12, vm13  }
0x8f: {  	v0 =	vsel vm0, $0xFFFFFFFF, v1  }
0x90: {  	v0 =	vadd.s32 v0, v3  }
0x91: {  	vm14 =	vgt.s32 v0, $0x1  }
0x92: {  	v1 =	vld [tilespmem:$0x100];
	v0 =	vnsel vm14, $0x1, v0  }
0x93: {  	v0 =	vmin.u32 v0, $0x20  }
0x94: {  	v3 =	vsub.s32 $0x21, v0  }
0x95: {  	v4 =	vld [tilespmem:$0x80];
	v3 =	vcvt.s32.f32 v3;
	_ =	sdelay $0x1  }
0x96: {  	v5 =	vsub.s32 $0x21, v2;
	v1 =	vmul.f32 v3, v1  }
0x97: {  	v3 =	vcvt.s32.f32 v5  }
0x98: {  	v1 =	vtrunc.f32 v1  }
0x99: {  	v3 =	vmul.f32 v3, v4;
	v1 =	vcvt.f32.s32 v1  }
0x9a: {  	v0 =	vadd.s32 $0xFFFFFFFF, v0;
	v4 =	vimm.s32 $0x2  }
0x9b: {  	v4 =	vshll.u32 v4, v0;
	v3 =	vtrunc.f32 v3;
	vm15 =	vgt.s32 v1, $0x1F  }
0x9c: {  	v0 =	vcvt.f32.s32 v3;
	v3 =	vadd.s32 $0xFFFFFFFF, v4;
	v1 =	vsel vm15, $0x1F, v1  }
0x9d: {  	v1 =	vshll.u32 v3, v1  }
0x9e: {  	v2 =	vadd.s32 v0, v2;
	v3 =	vlaneseq.u32;
	v1 =	vsel vm15, $0x0, v1  }
0x9f: {  	s31 =	sshll.u32 s1, $0x7;
	v4 =	vadd.s32 $0x1, v3;
	v5 =	vadd.s32 $0x11, v3;
	v8 =	vand.u32 $0x7, v3  }
0xa0: {  	s4 =	simm.s32 $0x0;
	s3 =	sadd.s32 s3, s31;
	v6 =	vor.u32 $0x10, v3;
	v7 =	vshrl.u32 v3, $0x3;
	v8 =	vmul.u32 $0x4, v8  }
.LBB2_1:
0xa1: {  	s5 =	sshll.u32 s4, $0x2  }
0xa2: {  	v9 =	vmov s5  }
0xa3: {  	s28 =	sshllo.u32 s4, $0x2;
	v10 =	vperm.xlane v0, v9  }
0xa4: {  	s6 =	sor.u32 $0x1, s5;
	v60 =	vmov s28;
	v11 =	vperm.xlane v2, v9;
	v9 =	vperm.xlane v1, v9  }
0xa5: {  	s5 =	sor.u32 $0x2, s5;
	v12 =	vmov s6;
	v16 =	vperm.xlane v0, v60;
	v61 =	vperm.xlane v2, v60  }
0xa6: {  	v58 =	vmov s5;
	v13 =	vperm.xlane v0, v12;
	v14 =	vperm.xlane v2, v12  }
0xa7: {  	v12 =	vperm.xlane v1, v12;
	v59 =	vperm.xlane v0, v58  }
0xa8: {  	v15 =	vperm.xlane v2, v58;
	vm0 =	vlt.s32 v10, v4;
	vm1 =	vgt.s32 v11, v3  }
0xa9: {  	vm3 =	vlt.s32 v10, v5;
	vm15 =	vgt.s32 v11, v6;
	vm12 =	vlt.s32 v16, v4  }
0xaa: {  	vm13 =	vlt.s32 v16, v5;
	vm0 =	vmand vm0, vm1;
	vm14 =	vlt.s32 v13, v4  }
0xab: {  	vm2 =	vgt.s32 v14, v3;
	vm4 =	vmand vm3, vm15;
	vm5 =	vlt.s32 v13, v5  }
0xac: {  	vm6 =	vgt.s32 v14, v6;
	vm7 =	vlt.s32 v59, v4;
	vm8 =	vgt.s32 v15, v3  }
0xad: {  	v13 =	vperm.xlane v1, v58;
	vm9 =	vlt.s32 v59, v5;
	vm10 =	vgt.s32 v15, v6  }
0xae: {  	vm15 =	vgt.s32 v61, v6;
	vm1 =	vmand vm14, vm2;
	v10 =	vnsel vm0, $0x0, v9  }
0xaf: {  	v9 =	vnsel vm4, $0x0, v9;
	vm0 =	vmand vm7, vm8;
	vm11 =	vmand vm9, vm10  }
0xb0: {  	vm14 =	vgt.s32 v61, v3;
	v11 =	vnsel vm1, $0x0, v12;
	vm1 =	vmand vm5, vm6  }
0xb1: {  	v62 =	vnsel vm0, $0x0, v13;
	v13 =	vnsel vm11, $0x0, v13;
	vm0 =	vmand vm12, vm14  }
0xb2: {  	v10 =	vor.u32 v10, v11;
	v11 =	vnsel vm1, $0x0, v12;
	v12 =	vperm.xlane v1, v60  }
0xb3: {  	vm1 =	vmand vm13, vm15;
	v9 =	vor.u32 v9, v11;
	v10 =	vor.u32 v10, v62  }
0xb4: {  	v11 =	vor.u32 v9, v13;
	v9 =	vnsel vm0, $0x0, v12;
	v12 =	vnsel vm1, $0x0, v12  }
0xb5: {  	p0 =	por $0x1, $0x1;
	s29 =	sand.u32 $0xE, s2;
	v9 =	vor.u32 v10, v9;
	v10 =	vor.u32 v11, v12  }
0xb6: {  	v63 =	vor.u32 s29, v7;
	v11 =	vpsel p0, v9, v10  }
0xb7: {  	s30 =	sshll.u32 s4, $0x8;
	v11 =	vperm.xlane v11, v63  }
0xb8: {  	s7 =	simm.s32 $0x1;
	s31 =	sand.u32 $0x3FFFFF00, s30  }
0xb9: {  	s8 =	simm.s32 $0x0;
	s5 =	sadd.s32 $0x180, s31;
	s6 =	simm.s32 $0x0;
	v11 =	vshrl.u32 v11, v8  }
.LBB2_2:
0xba: {  	p1 =	slt.s32 s7, $0x8  }
0xbb: {  	v11 =	vand.u32 $0xF, v11;
	s9 =	sand.u32 $0x80, s6;
	s8 =	sadd.s32 $0x2, s8;
	p0 =	sne.s32 s7, $0xF  }
.Ltmp0:
0xbc: {  	s7 =	sadd.s32 $0x1, s7;
	s10 =	sand.u32 $0xE, s8;
	v11 =	vmul.u32 $0x204081, v11;
	(pc) =	sbr.rel @p0 .LBB2_2-.Ltmp0, $4  }
0xbd: {  	v12 =	vpsel p1, v9, v10;
	s9 =	sadd.s32 s9, s5;
	v13 =	vor.u32 s10, v7;
	s10 =	sand.u32 $0x70, s6  }
0xbe: {  	v12 =	vperm.xlane v12, v13;
	v11 =	vand.u32 $0x1010101, v11;
	s9 =	sadd.s32 s10, s9  }
0xbf: {  	[tilespmem:s9+$0x0] =	vst v11  }
0xc0: {  	s6 =	sadd.s32 $0x10, s6;
	v11 =	vshrl.u32 v12, v8  }
0xc1: {  	s30 =	sshll.u32 s4, $0x5;
	s4 =	sadd.s32 $0x1, s4  }
0xc2: {  	v9 =	vand.u32 $0xF, v11;
	p0 =	sne.s32 s4, $0x4  }
.Ltmp1:
0xc3: {  	s7 =	sand.u32 $0x80, s6;
	v9 =	vmul.u32 $0x204081, v9;
	(pc) =	sbr.rel @p0 .LBB2_1-.Ltmp1, $4  }
0xc4: {  	s29 =	sand.u32 $0x70, s6;
	s7 =	sadd.s32 s7, s5  }
0xc5: {  	s6 =	sadd.s32 s29, s7;
	v9 =	vand.u32 $0x1010101, v9  }
0xc6: {  	s31 =	sadd.s32 s30, s3;
	[tilespmem:s6+$0x0] =	vst v9  }
0xc7: {  	[hbm4b:s31+s2] =	stream.linear.scatter [tilespmem:s5], [sflag:$0x1], $0x100, $0x38;
	[tilespmem:$0x580] =	vst v63  }
0xc8: {  	s2 =	simm.s32 $0x1  }
0xc9: {  	_ =	swait.ge [sflag:s2], $0x100  }
0xca: {  	[sflag:s2] =	ssyncset.done $0x0  }
0xcb: {  	[sflag:s2] =	ssyncadd.s32 $0xFFFFFF00  }
0xcc: {  	_ =	swait.ge [sflag:s2], $0x100  }
0xcd: {  	[sflag:s2] =	ssyncset.done $0x0  }
0xce: {  	[sflag:s2] =	ssyncadd.s32 $0xFFFFFF00  }
0xcf: {  	_ =	swait.ge [sflag:s2], $0x100  }
0xd0: {  	[sflag:s2] =	ssyncset.done $0x0  }
0xd1: {  	[sflag:s2] =	ssyncadd.s32 $0xFFFFFF00  }
0xd2: {  	_ =	swait.ge [sflag:s2], $0x100  }
0xd3: {  	[sflag:s2] =	ssyncset.done $0x0  }
0xd4: {  	[sflag:s2] =	ssyncadd.s32 $0xFFFFFF00  }
0xd5: {  	_ =	sfence.sel $0x180000  }
0xd6: {  	[bflag:$0x0] =	sbarrier.arrive $0xFFFF  }
0xd7: {  	p0 =	sne.s32 s1, $0x0;
	_ =	strace $0x90000047  }
0xd8: {  	s0 =	sadd.s32 @!p0 $0x100000, s0;
	[bflag:$0x2] =	sbarrier.arrive $0xFFFF  }
0xd9: {  	[sflag:s0] =	ssyncadd.tile.s32 @!p0 $0x1;
	_ =	shalt  }
.Lfunc_end2:
_tile_overlayer_lowered:
.L_overlay_start_2:
0xda: {  	(tag) =	ssettag $0x2  }
0xdb: {  	s0 =	rddreg [dreg:$0x0];
	s2 =	stileid.u32  }
0xdc: {  	s1 =	rddreg [dreg:$0x1];
	p0 =	sne.s32 s2, $0x0  }
0xdd: {  	s3 =	rddreg [dreg:$0x2];
	[bflag:$0x3] =	sbarrier.arrive $0xFFFF;
	s2 =	simm.s32 @!p0 $0x1C02  }
0xde: {  	[timem:s3], [sflag:s2] =	dma.local @!p0 [hbm:s0], s1  }
0xdf: {  	s0 =	simm.s32 @!p0 $0x2  }
0xe0: {  	_ =	swait.ge @!p0 [sflag:s0], s1  }
0xe1: {  	s1 =	ssub.s32 @!p0 $0x0, s1;
	[sflag:s0] =	ssyncset.done @!p0 $0x0  }
0xe2: {  	[sflag:s0] =	ssyncadd.s32 @!p0 s1  }
0xe3: {  	[bflag:$0x3] =	sbarrier.arrive $0xFFFF  }
0xe4: {  	_ =	shalt  }

</sc_bundles>
